<compile_context>
chip_gen: v7x
topology: tpu7x:2x2x1
jax: 0.10.2.dev20260603
libtpu: 0.0.44.dev20260713+nightly
codegen_flags: <defaults>
</compile_context>

<pallas_src>
import functools

import jax
import jax.numpy as jnp
from jax import lax
from jax.experimental import pallas as pl
from jax.experimental.pallas import tpu as pltpu
from jax.experimental.pallas import tpu_sc as plsc

NC = 2
NS = 16
NW = NC * NS
LANES = 16
NBUF = 2


@functools.partial(jax.jit, static_argnames=("B", "L", "D"))
def _embed(ids_t, tab_pad, pos_flat, B, L, D):
    scale = float(D) ** 0.5
    LB = L // 8
    BT = B // 128
    NTILES = LB * BT
    TPW = NTILES // NW
    CPW = TPW * 8
    G = D // LANES

    mesh = plsc.VectorSubcoreMesh(core_axis_name="c", subcore_axis_name="s")

    @functools.partial(
        pl.kernel,
        mesh=mesh,
        out_type=jax.ShapeDtypeStruct((L, B, D), jnp.float32),
        compiler_params=pltpu.CompilerParams(needs_layout_passes=False),
        scratch_types=(
            [pltpu.VMEM((8, 128), jnp.int32)]
            + [pltpu.VMEM((128,), jnp.int32)] * NBUF
            + [pltpu.VMEM((128, 2 * D), jnp.float32)] * NBUF
            + [pltpu.VMEM((128, D), jnp.float32)] * NBUF
            + [pltpu.VMEM((L * D,), jnp.float32)]
            + [pltpu.SemaphoreType.DMA] * NBUF
            + [pltpu.SemaphoreType.DMA] * NBUF
        ),
    )
    def k(ids_hbm, tab_hbm, pos_hbm, out_hbm, idx_tile, *sc):
        idx2 = sc[0:NBUF]
        rows = sc[NBUF:2 * NBUF]
        st = sc[2 * NBUF:3 * NBUF]
        pos_v = sc[3 * NBUF]
        gsems = sc[3 * NBUF + 1:3 * NBUF + 1 + NBUF]
        osems = sc[3 * NBUF + 1 + NBUF:3 * NBUF + 1 + 2 * NBUF]

        wid = lax.axis_index("s") * NC + lax.axis_index("c")
        t0 = wid * TPW

        pltpu.sync_copy(pos_hbm, pos_v)

        def load_tile(gg):
            t = t0 + gg // 8
            lb = t // BT
            bt = t % BT
            pltpu.sync_copy(
                ids_hbm.at[pl.ds(lb * 8, 8), pl.ds(bt * 128, 128)], idx_tile)

        def build_and_start(b, gg):
            l8 = gg % 8
            for g in range(128 // LANES):
                idx2[b][pl.ds(g * LANES, LANES)] = (
                    idx_tile[l8, pl.ds(g * LANES, LANES)])
            pltpu.make_async_copy(
                tab_hbm.at[idx2[b]], rows[b], gsems[b]).start()

        def out_slice(gg):
            t = t0 + gg // 8
            lb = t // BT
            bt = t % BT
            l = lb * 8 + gg % 8
            return out_hbm.at[l, pl.ds(bt * 128, 128), :], l

        load_tile(0)
        for b in range(NBUF):
            build_and_start(b, b)

        def chunk_body(g2, _):
            for b in range(NBUF):
                gg = g2 * NBUF + b
                pltpu.make_async_copy(
                    tab_hbm.at[idx2[b]], rows[b], gsems[b]).wait()

                dst, l = out_slice(gg)

                @pl.when(gg >= NBUF)
                def _():
                    pltpu.make_async_copy(st[b], dst, osems[b]).wait()

                pvq = [pos_v[pl.ds(l * D + q * LANES, LANES)]
                       for q in range(G)]

                @plsc.parallel_loop(0, 128, 1, unroll=2)
                def _(r):
                    for q in range(G):
                        x = rows[b][r, pl.ds(q * LANES, LANES)]
                        st[b][r, pl.ds(q * LANES, LANES)] = (
                            x * scale + pvq[q])

                pltpu.make_async_copy(st[b], dst, osems[b]).start()

                @pl.when(gg + NBUF < CPW)
                def _():
                    gg2 = gg + NBUF

                    @pl.when(gg2 % 8 == 0)
                    def _():
                        load_tile(gg2)

                    build_and_start(b, gg2)
            return 0

        lax.fori_loop(0, CPW // NBUF, chunk_body, 0)

        for b in range(NBUF):
            dst, _ = out_slice(CPW - NBUF + b)
            pltpu.make_async_copy(st[b], dst, osems[b]).wait()

    return k(ids_t, tab_pad, pos_flat)


def kernel(input_word_ids, token_table, position_table):
    B, L = input_word_ids.shape
    V, D = token_table.shape
    ids_t = jnp.swapaxes(input_word_ids, 0, 1).astype(jnp.int32)
    tab_pad = jnp.pad(token_table, ((0, 0), (0, D)))
    pos_flat = position_table.reshape(L * D)
    out3 = _embed(ids_t, tab_pad, pos_flat, B, L, D)
    return jnp.transpose(out3, (1, 0, 2))

# --- scband reference (transcript-rebuilt; emitter-appended) ---
"""Pipeline reference for scband-bert4-rec-embedding-74594991997279 (READ-ONLY COPY).

The authoritative reference and input builder live on the scoring server;
editing this copy changes nothing except your own understanding.
"""

import jax, jax.numpy as jnp
import numpy as np

VOCAB_SIZE = 1000000
SEQ_LENGTH = 200
DIM = 64
BATCH = 4096

def setup_inputs(seed: int = 0) -> dict:
    key = jax.random.key(seed)
    k1, k2, k3 = jax.random.split(key, 3)
    input_word_ids = jax.random.randint(k1, (BATCH, SEQ_LENGTH), 0, VOCAB_SIZE, dtype=jnp.int64 if jax.config.jax_enable_x64 else jnp.int32)
    token_table = jax.random.normal(k2, (VOCAB_SIZE, DIM), dtype=jnp.float32) * 0.02
    position_table = jax.random.normal(k3, (SEQ_LENGTH, DIM), dtype=jnp.float32) * 0.02
    return {"input_word_ids": input_word_ids, "token_table": token_table, "position_table": position_table}

def reference(input_word_ids, token_table, position_table):
    length = input_word_ids.shape[1]
    embedded_tokens = jnp.take(token_table, input_word_ids, axis=0)  # [B, L, D]
    embedded_positions = jnp.take(position_table, jnp.arange(length), axis=0)  # [L, D]
    embedded_tokens = embedded_tokens * jnp.sqrt(jnp.asarray(DIM, dtype=jnp.float32))
    return embedded_tokens + embedded_positions[jnp.newaxis, :, :]

if __name__ == "__main__":
    import jax
    _d = setup_inputs()
    print(jax.jit(kernel)(*tuple(_d.values())))

</pallas_src>

<mosaic_0001>
#map = affine_map<(d0, d1) -> (0, 0)>
#map1 = affine_map<(d0, d1) -> (0)>
#map2 = affine_map<(d0, d1) -> (0, 0, 0)>
module attributes {stable_mosaic.version = 14 : i64} {
  func.func @k(%arg0: i32, %arg1: i32, %arg2: memref<200x4096xi32, #tpu.memory_space<hbm>>, %arg3: memref<1000000x128xf32, #tpu.memory_space<hbm>>, %arg4: memref<12800xf32, #tpu.memory_space<hbm>>, %arg5: memref<200x4096x64xf32, #tpu.memory_space<hbm>>, %arg6: memref<8x128xi32, #tpu.memory_space<vmem>>, %arg7: memref<128xi32, #tpu.memory_space<vmem>>, %arg8: memref<128xi32, #tpu.memory_space<vmem>>, %arg9: memref<128x128xf32, #tpu.memory_space<vmem>>, %arg10: memref<128x128xf32, #tpu.memory_space<vmem>>, %arg11: memref<128x64xf32, #tpu.memory_space<vmem>>, %arg12: memref<128x64xf32, #tpu.memory_space<vmem>>, %arg13: memref<12800xf32, #tpu.memory_space<vmem>>, %arg14: memref<!tpu.dma_semaphore, #tpu.memory_space<semaphore_mem>>, %arg15: memref<!tpu.dma_semaphore, #tpu.memory_space<semaphore_mem>>, %arg16: memref<!tpu.dma_semaphore, #tpu.memory_space<semaphore_mem>>, %arg17: memref<!tpu.dma_semaphore, #tpu.memory_space<semaphore_mem>>) attributes {dimension_semantics = [#tpu.dimension_semantics<core_parallel>, #tpu.dimension_semantics<subcore_parallel>], iteration_bounds = array<i64: 2, 16>, scalar_prefetch = 0 : i64, scratch_operands = 12 : i64, tpu.core_type = #tpu.core_type<sc_vector_subcore>, window_params = [{transform_indices = #map}, {transform_indices = #map}, {transform_indices = #map1}, {transform_indices = #map2}]} {
    %mul3A = arith.constant 2 : i32
    %mul3A_0 = arith.muli %arg1, %mul3A : i32
    %add3A = arith.addi %mul3A_0, %arg0 : i32
    %mul3A_1 = arith.constant 25 : i32
    %mul3A_2 = arith.muli %add3A, %mul3A_1 : i32
    "tpu.region"() ({
      %run_scoped3A = tpu.sem_alloc : memref<!tpu.dma_semaphore, #tpu.memory_space<semaphore_mem>>
      tpu.enqueue_dma source(%arg4 : memref<12800xf32, #tpu.memory_space<hbm>>) target(%arg13 : memref<12800xf32, #tpu.memory_space<vmem>>) target_semaphore(%run_scoped3A : memref<!tpu.dma_semaphore, #tpu.memory_space<semaphore_mem>>)
      tpu.wait_dma2 semaphore(%run_scoped3A : memref<!tpu.dma_semaphore, #tpu.memory_space<semaphore_mem>>) src(%arg4 : memref<12800xf32, #tpu.memory_space<hbm>>) dst(%arg13 : memref<12800xf32, #tpu.memory_space<vmem>>)
      tpu.yield
    }) : () -> ()
    %add3A_3 = arith.constant 0 : i32
    %add3A_4 = arith.addi %mul3A_2, %add3A_3 : i32
    %jit3A = arith.constant 32 : i32
    %div3A = arith.divsi %add3A_4, %jit3A : i32
    %sign3A = arith.constant 0 : i32
    %sign3A_5 = arith.cmpi sgt, %add3A_4, %sign3A : i32
    %sign3A_6 = arith.extui %sign3A_5 : i1 to i32
    %sign3A_7 = arith.constant 0 : i32
    %sign3A_8 = arith.cmpi slt, %add3A_4, %sign3A_7 : i32
    %sign3A_9 = arith.extui %sign3A_8 : i1 to i32
    %sign3A_10 = arith.subi %sign3A_6, %sign3A_9 : i32
    %sign3A_11 = arith.constant 0 : i32
    %sign3A_12 = arith.cmpi sgt, %jit3A, %sign3A_11 : i32
    %sign3A_13 = arith.extui %sign3A_12 : i1 to i32
    %sign3A_14 = arith.constant 0 : i32
    %sign3A_15 = arith.cmpi slt, %jit3A, %sign3A_14 : i32
    %sign3A_16 = arith.extui %sign3A_15 : i1 to i32
    %sign3A_17 = arith.subi %sign3A_13, %sign3A_16 : i32
    %ne3A = arith.cmpi ne, %sign3A_10, %sign3A_17 : i32
    %rem3A = arith.remsi %add3A_4, %jit3A : i32
    %ne3A_18 = arith.constant 0 : i32
    %ne3A_19 = arith.cmpi ne, %rem3A, %ne3A_18 : i32
    %and3A = arith.andi %ne3A, %ne3A_19 : i1
    %sub3A = arith.constant 1 : i32
    %sub3A_20 = arith.subi %div3A, %sub3A : i32
    %select_n3A = arith.select %and3A, %sub3A_20, %div3A : i32
    %jit3A_21 = arith.constant 32 : i32
    %eq3A = arith.constant 0 : i32
    %eq3A_22 = arith.cmpi eq, %jit3A_21, %eq3A : i32
    %jit3A_23 = arith.constant 1 : i32
    %select_n3A_24 = arith.select %eq3A_22, %jit3A_23, %jit3A_21 : i32
    %rem3A_25 = arith.remsi %add3A_4, %select_n3A_24 : i32
    %ne3A_26 = arith.constant 0 : i32
    %ne3A_27 = arith.cmpi ne, %rem3A_25, %ne3A_26 : i32
    %lt3A = arith.constant 0 : i32
    %lt3A_28 = arith.cmpi slt, %rem3A_25, %lt3A : i32
    %lt3A_29 = arith.constant 0 : i32
    %lt3A_30 = arith.cmpi slt, %select_n3A_24, %lt3A_29 : i32
    %ne3A_31 = arith.xori %lt3A_28, %lt3A_30 : i1
    %and3A_32 = arith.andi %ne3A_31, %ne3A_27 : i1
    %add3A_33 = arith.addi %rem3A_25, %select_n3A_24 : i32
    %select_n3A_34 = arith.select %and3A_32, %add3A_33, %rem3A_25 : i32
    %mul3A_35 = arith.constant 8 : i32
    %mul3A_36 = arith.muli %select_n3A, %mul3A_35 : i32
    %mul3A_37 = arith.constant 128 : i32
    %mul3A_38 = arith.muli %select_n3A_34, %mul3A_37 : i32
    "tpu.region"() ({
      %run_scoped3A = tpu.sem_alloc : memref<!tpu.dma_semaphore, #tpu.memory_space<semaphore_mem>>
      %dma_start3A_251 = tpu.memref_slice %arg2[%mul3A_36, %mul3A_38] : memref<200x4096xi32, #tpu.memory_space<hbm>> -> memref<8x128xi32, #tpu.memory_space<hbm>>
      %dma_start3A_252 = tpu.memref_slice %arg2[%mul3A_36, %mul3A_38] : memref<200x4096xi32, #tpu.memory_space<hbm>> -> memref<8x128xi32, #tpu.memory_space<hbm>>
      tpu.enqueue_dma source(%dma_start3A_252 : memref<8x128xi32, #tpu.memory_space<hbm>>) target(%arg6 : memref<8x128xi32, #tpu.memory_space<vmem>>) target_semaphore(%run_scoped3A : memref<!tpu.dma_semaphore, #tpu.memory_space<semaphore_mem>>)
      %dma_wait3A_253 = tpu.memref_slice %arg2[%mul3A_36, %mul3A_38] : memref<200x4096xi32, #tpu.memory_space<hbm>> -> memref<8x128xi32, #tpu.memory_space<hbm>>
      %dma_wait3A_254 = tpu.memref_slice %arg2[%mul3A_36, %mul3A_38] : memref<200x4096xi32, #tpu.memory_space<hbm>> -> memref<8x128xi32, #tpu.memory_space<hbm>>
      tpu.wait_dma2 semaphore(%run_scoped3A : memref<!tpu.dma_semaphore, #tpu.memory_space<semaphore_mem>>) src(%dma_wait3A_254 : memref<8x128xi32, #tpu.memory_space<hbm>>) dst(%arg6 : memref<8x128xi32, #tpu.memory_space<vmem>>)
      tpu.yield
    }) : () -> ()
    %get3A = arith.constant 0 : i32
    %get3A_39 = arith.index_cast %get3A : i32 to index
    %get3A_40 = arith.constant 0 : index
    %get3A_41 = tpu.vector_load %arg6[%get3A_39, %get3A_40] {strides = array<i32>} : memref<8x128xi32, #tpu.memory_space<vmem>>, vector<16xi32>,
    %swap3A = arith.constant 0 : index
    %swap3A_42 = tpu.vector_load %arg7[%swap3A] {strides = array<i32>} : memref<128xi32, #tpu.memory_space<vmem>>, vector<16xi32>,
    tpu.vector_store %arg7[%swap3A], %get3A_41 {strides = array<i32>} : memref<128xi32, #tpu.memory_space<vmem>>, vector<16xi32>,
    %get3A_43 = arith.constant 0 : i32
    %get3A_44 = arith.index_cast %get3A_43 : i32 to index
    %get3A_45 = arith.constant 16 : index
    %get3A_46 = tpu.vector_load %arg6[%get3A_44, %get3A_45] {strides = array<i32>} : memref<8x128xi32, #tpu.memory_space<vmem>>, vector<16xi32>,
    %swap3A_47 = arith.constant 16 : index
    %swap3A_48 = tpu.vector_load %arg7[%swap3A_47] {strides = array<i32>} : memref<128xi32, #tpu.memory_space<vmem>>, vector<16xi32>,
    tpu.vector_store %arg7[%swap3A_47], %get3A_46 {strides = array<i32>} : memref<128xi32, #tpu.memory_space<vmem>>, vector<16xi32>,
    %get3A_49 = arith.constant 0 : i32
    %get3A_50 = arith.index_cast %get3A_49 : i32 to index
    %get3A_51 = arith.constant 32 : index
    %get3A_52 = tpu.vector_load %arg6[%get3A_50, %get3A_51] {strides = array<i32>} : memref<8x128xi32, #tpu.memory_space<vmem>>, vector<16xi32>,
    %swap3A_53 = arith.constant 32 : index
    %swap3A_54 = tpu.vector_load %arg7[%swap3A_53] {strides = array<i32>} : memref<128xi32, #tpu.memory_space<vmem>>, vector<16xi32>,
    tpu.vector_store %arg7[%swap3A_53], %get3A_52 {strides = array<i32>} : memref<128xi32, #tpu.memory_space<vmem>>, vector<16xi32>,
    %get3A_55 = arith.constant 0 : i32
    %get3A_56 = arith.index_cast %get3A_55 : i32 to index
    %get3A_57 = arith.constant 48 : index
    %get3A_58 = tpu.vector_load %arg6[%get3A_56, %get3A_57] {strides = array<i32>} : memref<8x128xi32, #tpu.memory_space<vmem>>, vector<16xi32>,
    %swap3A_59 = arith.constant 48 : index
    %swap3A_60 = tpu.vector_load %arg7[%swap3A_59] {strides = array<i32>} : memref<128xi32, #tpu.memory_space<vmem>>, vector<16xi32>,
    tpu.vector_store %arg7[%swap3A_59], %get3A_58 {strides = array<i32>} : memref<128xi32, #tpu.memory_space<vmem>>, vector<16xi32>,
    %get3A_61 = arith.constant 0 : i32
    %get3A_62 = arith.index_cast %get3A_61 : i32 to index
    %get3A_63 = arith.constant 64 : index
    %get3A_64 = tpu.vector_load %arg6[%get3A_62, %get3A_63] {strides = array<i32>} : memref<8x128xi32, #tpu.memory_space<vmem>>, vector<16xi32>,
    %swap3A_65 = arith.constant 64 : index
    %swap3A_66 = tpu.vector_load %arg7[%swap3A_65] {strides = array<i32>} : memref<128xi32, #tpu.memory_space<vmem>>, vector<16xi32>,
    tpu.vector_store %arg7[%swap3A_65], %get3A_64 {strides = array<i32>} : memref<128xi32, #tpu.memory_space<vmem>>, vector<16xi32>,
    %get3A_67 = arith.constant 0 : i32
    %get3A_68 = arith.index_cast %get3A_67 : i32 to index
    %get3A_69 = arith.constant 80 : index
    %get3A_70 = tpu.vector_load %arg6[%get3A_68, %get3A_69] {strides = array<i32>} : memref<8x128xi32, #tpu.memory_space<vmem>>, vector<16xi32>,
    %swap3A_71 = arith.constant 80 : index
    %swap3A_72 = tpu.vector_load %arg7[%swap3A_71] {strides = array<i32>} : memref<128xi32, #tpu.memory_space<vmem>>, vector<16xi32>,
    tpu.vector_store %arg7[%swap3A_71], %get3A_70 {strides = array<i32>} : memref<128xi32, #tpu.memory_space<vmem>>, vector<16xi32>,
    %get3A_73 = arith.constant 0 : i32
    %get3A_74 = arith.index_cast %get3A_73 : i32 to index
    %get3A_75 = arith.constant 96 : index
    %get3A_76 = tpu.vector_load %arg6[%get3A_74, %get3A_75] {strides = array<i32>} : memref<8x128xi32, #tpu.memory_space<vmem>>, vector<16xi32>,
    %swap3A_77 = arith.constant 96 : index
    %swap3A_78 = tpu.vector_load %arg7[%swap3A_77] {strides = array<i32>} : memref<128xi32, #tpu.memory_space<vmem>>, vector<16xi32>,
    tpu.vector_store %arg7[%swap3A_77], %get3A_76 {strides = array<i32>} : memref<128xi32, #tpu.memory_space<vmem>>, vector<16xi32>,
    %get3A_79 = arith.constant 0 : i32
    %get3A_80 = arith.index_cast %get3A_79 : i32 to index
    %get3A_81 = arith.constant 112 : index
    %get3A_82 = tpu.vector_load %arg6[%get3A_80, %get3A_81] {strides = array<i32>} : memref<8x128xi32, #tpu.memory_space<vmem>>, vector<16xi32>,
    %swap3A_83 = arith.constant 112 : index
    %swap3A_84 = tpu.vector_load %arg7[%swap3A_83] {strides = array<i32>} : memref<128xi32, #tpu.memory_space<vmem>>, vector<16xi32>,
    tpu.vector_store %arg7[%swap3A_83], %get3A_82 {strides = array<i32>} : memref<128xi32, #tpu.memory_space<vmem>>, vector<16xi32>,
    %dma_start3A = arith.constant 0 : i32
    %dma_start3A_85 = arith.constant 0 : i32
    %dma_start3A_86 = tpu.memref_slice %arg3[%dma_start3A, %dma_start3A_85] : memref<1000000x128xf32, #tpu.memory_space<hbm>> -> memref<1000000x128xf32, #tpu.memory_space<hbm>>
    tpu.enqueue_indirect_dma source(%dma_start3A_86 : memref<1000000x128xf32, #tpu.memory_space<hbm>>) target(%arg9 : memref<128x128xf32, #tpu.memory_space<vmem>>) offsets(%arg7 : memref<128xi32, #tpu.memory_space<vmem>>) semaphore(%arg14 : memref<!tpu.dma_semaphore, #tpu.memory_space<semaphore_mem>>)
    %get3A_87 = arith.constant 1 : i32
    %get3A_88 = arith.index_cast %get3A_87 : i32 to index
    %get3A_89 = arith.constant 0 : index
    %get3A_90 = tpu.vector_load %arg6[%get3A_88, %get3A_89] {strides = array<i32>} : memref<8x128xi32, #tpu.memory_space<vmem>>, vector<16xi32>,
    %swap3A_91 = arith.constant 0 : index
    %swap3A_92 = tpu.vector_load %arg8[%swap3A_91] {strides = array<i32>} : memref<128xi32, #tpu.memory_space<vmem>>, vector<16xi32>,
    tpu.vector_store %arg8[%swap3A_91], %get3A_90 {strides = array<i32>} : memref<128xi32, #tpu.memory_space<vmem>>, vector<16xi32>,
    %get3A_93 = arith.constant 1 : i32
    %get3A_94 = arith.index_cast %get3A_93 : i32 to index
    %get3A_95 = arith.constant 16 : index
    %get3A_96 = tpu.vector_load %arg6[%get3A_94, %get3A_95] {strides = array<i32>} : memref<8x128xi32, #tpu.memory_space<vmem>>, vector<16xi32>,
    %swap3A_97 = arith.constant 16 : index
    %swap3A_98 = tpu.vector_load %arg8[%swap3A_97] {strides = array<i32>} : memref<128xi32, #tpu.memory_space<vmem>>, vector<16xi32>,
    tpu.vector_store %arg8[%swap3A_97], %get3A_96 {strides = array<i32>} : memref<128xi32, #tpu.memory_space<vmem>>, vector<16xi32>,
    %get3A_99 = arith.constant 1 : i32
    %get3A_100 = arith.index_cast %get3A_99 : i32 to index
    %get3A_101 = arith.constant 32 : index
    %get3A_102 = tpu.vector_load %arg6[%get3A_100, %get3A_101] {strides = array<i32>} : memref<8x128xi32, #tpu.memory_space<vmem>>, vector<16xi32>,
    %swap3A_103 = arith.constant 32 : index
    %swap3A_104 = tpu.vector_load %arg8[%swap3A_103] {strides = array<i32>} : memref<128xi32, #tpu.memory_space<vmem>>, vector<16xi32>,
    tpu.vector_store %arg8[%swap3A_103], %get3A_102 {strides = array<i32>} : memref<128xi32, #tpu.memory_space<vmem>>, vector<16xi32>,
    %get3A_105 = arith.constant 1 : i32
    %get3A_106 = arith.index_cast %get3A_105 : i32 to index
    %get3A_107 = arith.constant 48 : index
    %get3A_108 = tpu.vector_load %arg6[%get3A_106, %get3A_107] {strides = array<i32>} : memref<8x128xi32, #tpu.memory_space<vmem>>, vector<16xi32>,
    %swap3A_109 = arith.constant 48 : index
    %swap3A_110 = tpu.vector_load %arg8[%swap3A_109] {strides = array<i32>} : memref<128xi32, #tpu.memory_space<vmem>>, vector<16xi32>,
    tpu.vector_store %arg8[%swap3A_109], %get3A_108 {strides = array<i32>} : memref<128xi32, #tpu.memory_space<vmem>>, vector<16xi32>,
    %get3A_111 = arith.constant 1 : i32
    %get3A_112 = arith.index_cast %get3A_111 : i32 to index
    %get3A_113 = arith.constant 64 : index
    %get3A_114 = tpu.vector_load %arg6[%get3A_112, %get3A_113] {strides = array<i32>} : memref<8x128xi32, #tpu.memory_space<vmem>>, vector<16xi32>,
    %swap3A_115 = arith.constant 64 : index
    %swap3A_116 = tpu.vector_load %arg8[%swap3A_115] {strides = array<i32>} : memref<128xi32, #tpu.memory_space<vmem>>, vector<16xi32>,
    tpu.vector_store %arg8[%swap3A_115], %get3A_114 {strides = array<i32>} : memref<128xi32, #tpu.memory_space<vmem>>, vector<16xi32>,
    %get3A_117 = arith.constant 1 : i32
    %get3A_118 = arith.index_cast %get3A_117 : i32 to index
    %get3A_119 = arith.constant 80 : index
    %get3A_120 = tpu.vector_load %arg6[%get3A_118, %get3A_119] {strides = array<i32>} : memref<8x128xi32, #tpu.memory_space<vmem>>, vector<16xi32>,
    %swap3A_121 = arith.constant 80 : index
    %swap3A_122 = tpu.vector_load %arg8[%swap3A_121] {strides = array<i32>} : memref<128xi32, #tpu.memory_space<vmem>>, vector<16xi32>,
    tpu.vector_store %arg8[%swap3A_121], %get3A_120 {strides = array<i32>} : memref<128xi32, #tpu.memory_space<vmem>>, vector<16xi32>,
    %get3A_123 = arith.constant 1 : i32
    %get3A_124 = arith.index_cast %get3A_123 : i32 to index
    %get3A_125 = arith.constant 96 : index
    %get3A_126 = tpu.vector_load %arg6[%get3A_124, %get3A_125] {strides = array<i32>} : memref<8x128xi32, #tpu.memory_space<vmem>>, vector<16xi32>,
    %swap3A_127 = arith.constant 96 : index
    %swap3A_128 = tpu.vector_load %arg8[%swap3A_127] {strides = array<i32>} : memref<128xi32, #tpu.memory_space<vmem>>, vector<16xi32>,
    tpu.vector_store %arg8[%swap3A_127], %get3A_126 {strides = array<i32>} : memref<128xi32, #tpu.memory_space<vmem>>, vector<16xi32>,
    %get3A_129 = arith.constant 1 : i32
    %get3A_130 = arith.index_cast %get3A_129 : i32 to index
    %get3A_131 = arith.constant 112 : index
    %get3A_132 = tpu.vector_load %arg6[%get3A_130, %get3A_131] {strides = array<i32>} : memref<8x128xi32, #tpu.memory_space<vmem>>, vector<16xi32>,
    %swap3A_133 = arith.constant 112 : index
    %swap3A_134 = tpu.vector_load %arg8[%swap3A_133] {strides = array<i32>} : memref<128xi32, #tpu.memory_space<vmem>>, vector<16xi32>,
    tpu.vector_store %arg8[%swap3A_133], %get3A_132 {strides = array<i32>} : memref<128xi32, #tpu.memory_space<vmem>>, vector<16xi32>,
    %dma_start3A_135 = arith.constant 0 : i32
    %dma_start3A_136 = arith.constant 0 : i32
    %dma_start3A_137 = tpu.memref_slice %arg3[%dma_start3A_135, %dma_start3A_136] : memref<1000000x128xf32, #tpu.memory_space<hbm>> -> memref<1000000x128xf32, #tpu.memory_space<hbm>>
    tpu.enqueue_indirect_dma source(%dma_start3A_137 : memref<1000000x128xf32, #tpu.memory_space<hbm>>) target(%arg10 : memref<128x128xf32, #tpu.memory_space<vmem>>) offsets(%arg8 : memref<128xi32, #tpu.memory_space<vmem>>) semaphore(%arg15 : memref<!tpu.dma_semaphore, #tpu.memory_space<semaphore_mem>>)
    %scan3A = arith.constant 0 : i32
    %scan3A_138 = arith.constant 0 : i32
    %scan3A_139 = arith.constant 100 : i32
    %scan3A_140 = arith.addi %scan3A_138, %scan3A_139 : i32
    %scan3A_141 = arith.constant 1 : i32
    %scan3A_142 = scf.for %scan3A_251 = %scan3A_138 to %scan3A_140 step %scan3A_141 iter_args(%scan3A_252 = %scan3A) -> (i32)  : i32 {
      %mul3A_253 = arith.constant 2 : i32
      %mul3A_254 = arith.muli %scan3A_251, %mul3A_253 : i32
      %add3A_255 = arith.constant 0 : i32
      %add3A_256 = arith.addi %mul3A_254, %add3A_255 : i32
      %dma_wait3A_257 = arith.constant 0 : i32
      %dma_wait3A_258 = arith.constant 0 : i32
      %dma_wait3A_259 = tpu.memref_slice %arg3[%dma_wait3A_257, %dma_wait3A_258] : memref<1000000x128xf32, #tpu.memory_space<hbm>> -> memref<1000000x128xf32, #tpu.memory_space<hbm>>
      tpu.wait_indirect_dma semaphore(%arg14 : memref<!tpu.dma_semaphore, #tpu.memory_space<semaphore_mem>>) src(%dma_wait3A_259 : memref<1000000x128xf32, #tpu.memory_space<hbm>>) dst(%arg9 : memref<128x128xf32, #tpu.memory_space<vmem>>)
      %jit3A_260 = arith.constant 8 : i32
      %div3A_261 = arith.divsi %add3A_256, %jit3A_260 : i32
      %sign3A_262 = arith.constant 0 : i32
      %sign3A_263 = arith.cmpi sgt, %add3A_256, %sign3A_262 : i32
      %sign3A_264 = arith.extui %sign3A_263 : i1 to i32
      %sign3A_265 = arith.constant 0 : i32
      %sign3A_266 = arith.cmpi slt, %add3A_256, %sign3A_265 : i32
      %sign3A_267 = arith.extui %sign3A_266 : i1 to i32
      %sign3A_268 = arith.subi %sign3A_264, %sign3A_267 : i32
      %sign3A_269 = arith.constant 0 : i32
      %sign3A_270 = arith.cmpi sgt, %jit3A_260, %sign3A_269 : i32
      %sign3A_271 = arith.extui %sign3A_270 : i1 to i32
      %sign3A_272 = arith.constant 0 : i32
      %sign3A_273 = arith.cmpi slt, %jit3A_260, %sign3A_272 : i32
      %sign3A_274 = arith.extui %sign3A_273 : i1 to i32
      %sign3A_275 = arith.subi %sign3A_271, %sign3A_274 : i32
      %ne3A_276 = arith.cmpi ne, %sign3A_268, %sign3A_275 : i32
      %rem3A_277 = arith.remsi %add3A_256, %jit3A_260 : i32
      %ne3A_278 = arith.constant 0 : i32
      %ne3A_279 = arith.cmpi ne, %rem3A_277, %ne3A_278 : i32
      %and3A_280 = arith.andi %ne3A_276, %ne3A_279 : i1
      %sub3A_281 = arith.constant 1 : i32
      %sub3A_282 = arith.subi %div3A_261, %sub3A_281 : i32
      %select_n3A_283 = arith.select %and3A_280, %sub3A_282, %div3A_261 : i32
      %add3A_284 = arith.addi %mul3A_2, %select_n3A_283 : i32
      %jit3A_285 = arith.constant 32 : i32
      %div3A_286 = arith.divsi %add3A_284, %jit3A_285 : i32
      %sign3A_287 = arith.constant 0 : i32
      %sign3A_288 = arith.cmpi sgt, %add3A_284, %sign3A_287 : i32
      %sign3A_289 = arith.extui %sign3A_288 : i1 to i32
      %sign3A_290 = arith.constant 0 : i32
      %sign3A_291 = arith.cmpi slt, %add3A_284, %sign3A_290 : i32
      %sign3A_292 = arith.extui %sign3A_291 : i1 to i32
      %sign3A_293 = arith.subi %sign3A_289, %sign3A_292 : i32
      %sign3A_294 = arith.constant 0 : i32
      %sign3A_295 = arith.cmpi sgt, %jit3A_285, %sign3A_294 : i32
      %sign3A_296 = arith.extui %sign3A_295 : i1 to i32
      %sign3A_297 = arith.constant 0 : i32
      %sign3A_298 = arith.cmpi slt, %jit3A_285, %sign3A_297 : i32
      %sign3A_299 = arith.extui %sign3A_298 : i1 to i32
      %sign3A_300 = arith.subi %sign3A_296, %sign3A_299 : i32
      %ne3A_301 = arith.cmpi ne, %sign3A_293, %sign3A_300 : i32
      %rem3A_302 = arith.remsi %add3A_284, %jit3A_285 : i32
      %ne3A_303 = arith.constant 0 : i32
      %ne3A_304 = arith.cmpi ne, %rem3A_302, %ne3A_303 : i32
      %and3A_305 = arith.andi %ne3A_301, %ne3A_304 : i1
      %sub3A_306 = arith.constant 1 : i32
      %sub3A_307 = arith.subi %div3A_286, %sub3A_306 : i32
      %select_n3A_308 = arith.select %and3A_305, %sub3A_307, %div3A_286 : i32
      %jit3A_309 = arith.constant 32 : i32
      %eq3A_310 = arith.constant 0 : i32
      %eq3A_311 = arith.cmpi eq, %jit3A_309, %eq3A_310 : i32
      %jit3A_312 = arith.constant 1 : i32
      %select_n3A_313 = arith.select %eq3A_311, %jit3A_312, %jit3A_309 : i32
      %rem3A_314 = arith.remsi %add3A_284, %select_n3A_313 : i32
      %ne3A_315 = arith.constant 0 : i32
      %ne3A_316 = arith.cmpi ne, %rem3A_314, %ne3A_315 : i32
      %lt3A_317 = arith.constant 0 : i32
      %lt3A_318 = arith.cmpi slt, %rem3A_314, %lt3A_317 : i32
      %lt3A_319 = arith.constant 0 : i32
      %lt3A_320 = arith.cmpi slt, %select_n3A_313, %lt3A_319 : i32
      %ne3A_321 = arith.xori %lt3A_318, %lt3A_320 : i1
      %and3A_322 = arith.andi %ne3A_321, %ne3A_316 : i1
      %add3A_323 = arith.addi %rem3A_314, %select_n3A_313 : i32
      %select_n3A_324 = arith.select %and3A_322, %add3A_323, %rem3A_314 : i32
      %mul3A_325 = arith.constant 8 : i32
      %mul3A_326 = arith.muli %select_n3A_308, %mul3A_325 : i32
      %jit3A_327 = arith.constant 8 : i32
      %eq3A_328 = arith.constant 0 : i32
      %eq3A_329 = arith.cmpi eq, %jit3A_327, %eq3A_328 : i32
      %jit3A_330 = arith.constant 1 : i32
      %select_n3A_331 = arith.select %eq3A_329, %jit3A_330, %jit3A_327 : i32
      %rem3A_332 = arith.remsi %add3A_256, %select_n3A_331 : i32
      %ne3A_333 = arith.constant 0 : i32
      %ne3A_334 = arith.cmpi ne, %rem3A_332, %ne3A_333 : i32
      %lt3A_335 = arith.constant 0 : i32
      %lt3A_336 = arith.cmpi slt, %rem3A_332, %lt3A_335 : i32
      %lt3A_337 = arith.constant 0 : i32
      %lt3A_338 = arith.cmpi slt, %select_n3A_331, %lt3A_337 : i32
      %ne3A_339 = arith.xori %lt3A_336, %lt3A_338 : i1
      %and3A_340 = arith.andi %ne3A_339, %ne3A_334 : i1
      %add3A_341 = arith.addi %rem3A_332, %select_n3A_331 : i32
      %select_n3A_342 = arith.select %and3A_340, %add3A_341, %rem3A_332 : i32
      %add3A_343 = arith.addi %mul3A_326, %select_n3A_342 : i32
      %mul3A_344 = arith.constant 128 : i32
      %mul3A_345 = arith.muli %select_n3A_324, %mul3A_344 : i32
      %ge3A = arith.constant 2 : i32
      %ge3A_346 = arith.cmpi sge, %add3A_256, %ge3A : i32
      %convert_element_type3A = arith.extui %ge3A_346 : i1 to i32
      %cond3A = arith.constant 0 : i32
      %cond3A_347 = arith.cmpi ne, %convert_element_type3A, %cond3A : i32
      scf.if %cond3A_347 {
        %dma_wait3A_526 = arith.constant 0 : i32
        %dma_wait3A_527 = tpu.memref_slice %arg5[%add3A_343, %mul3A_345, %dma_wait3A_526] : memref<200x4096x64xf32, #tpu.memory_space<hbm>> -> memref<1x128x64xf32, #tpu.memory_space<hbm>>
        %dma_wait3A_528 = tpu.memref_squeeze %dma_wait3A_527 : memref<1x128x64xf32, #tpu.memory_space<hbm>> -> memref<128x64xf32, #tpu.memory_space<hbm>>
        %dma_wait3A_529 = arith.constant 0 : i32
        %dma_wait3A_530 = tpu.memref_slice %arg5[%add3A_343, %mul3A_345, %dma_wait3A_529] : memref<200x4096x64xf32, #tpu.memory_space<hbm>> -> memref<1x128x64xf32, #tpu.memory_space<hbm>>
        %dma_wait3A_531 = tpu.memref_squeeze %dma_wait3A_530 : memref<1x128x64xf32, #tpu.memory_space<hbm>> -> memref<128x64xf32, #tpu.memory_space<hbm>>
        tpu.wait_dma2 semaphore(%arg16 : memref<!tpu.dma_semaphore, #tpu.memory_space<semaphore_mem>>) src(%arg11 : memref<128x64xf32, #tpu.memory_space<vmem>>) dst(%dma_wait3A_531 : memref<128x64xf32, #tpu.memory_space<hbm>>)
      } else {
      }
      %mul3A_348 = arith.constant 64 : i32
      %mul3A_349 = arith.muli %add3A_343, %mul3A_348 : i32
      %add3A_350 = arith.constant 0 : i32
      %add3A_351 = arith.addi %mul3A_349, %add3A_350 : i32
      %get3A_352 = arith.index_cast %add3A_351 : i32 to index
      %get3A_353 = tpu.vector_load %arg13[%get3A_352] {strides = array<i32>} : memref<12800xf32, #tpu.memory_space<vmem>>, vector<16xf32>,
      %mul3A_354 = arith.constant 64 : i32
      %mul3A_355 = arith.muli %add3A_343, %mul3A_354 : i32
      %add3A_356 = arith.constant 16 : i32
      %add3A_357 = arith.addi %mul3A_355, %add3A_356 : i32
      %get3A_358 = arith.index_cast %add3A_357 : i32 to index
      %get3A_359 = tpu.vector_load %arg13[%get3A_358] {strides = array<i32>} : memref<12800xf32, #tpu.memory_space<vmem>>, vector<16xf32>,
      %mul3A_360 = arith.constant 64 : i32
      %mul3A_361 = arith.muli %add3A_343, %mul3A_360 : i32
      %add3A_362 = arith.constant 32 : i32
      %add3A_363 = arith.addi %mul3A_361, %add3A_362 : i32
      %get3A_364 = arith.index_cast %add3A_363 : i32 to index
      %get3A_365 = tpu.vector_load %arg13[%get3A_364] {strides = array<i32>} : memref<12800xf32, #tpu.memory_space<vmem>>, vector<16xf32>,
      %mul3A_366 = arith.constant 64 : i32
      %mul3A_367 = arith.muli %add3A_343, %mul3A_366 : i32
      %add3A_368 = arith.constant 48 : i32
      %add3A_369 = arith.addi %mul3A_367, %add3A_368 : i32
      %get3A_370 = arith.index_cast %add3A_369 : i32 to index
      %get3A_371 = tpu.vector_load %arg13[%get3A_370] {strides = array<i32>} : memref<12800xf32, #tpu.memory_space<vmem>>, vector<16xf32>,
      %parallel_loop3A = arith.constant 0 : i32
      %parallel_loop3A_372 = arith.constant 128 : i32
      %parallel_loop3A_373 = arith.constant 1 : i32
      scf.for %parallel_loop3A_526 = %parallel_loop3A to %parallel_loop3A_372 step %parallel_loop3A_373  : i32 {
        %parallel_loop3A_527 = arith.index_cast %parallel_loop3A_526 : i32 to index
        %parallel_loop3A_528 = arith.constant 0 : index
        %parallel_loop3A_529 = tpu.vector_load %arg9[%parallel_loop3A_527, %parallel_loop3A_528] {strides = array<i32>} : memref<128x128xf32, #tpu.memory_space<vmem>>, vector<16xf32>,
        %parallel_loop3A_530 = arith.constant 8.000000e+00 : f32
        %parallel_loop3A_531 = vector.broadcast %parallel_loop3A_530 : f32 to vector<16xf32>
        %parallel_loop3A_532 = arith.mulf %parallel_loop3A_529, %parallel_loop3A_531 : vector<16xf32>
        %parallel_loop3A_533 = arith.addf %parallel_loop3A_532, %get3A_353 : vector<16xf32>
        %parallel_loop3A_534 = arith.index_cast %parallel_loop3A_526 : i32 to index
        %parallel_loop3A_535 = arith.constant 0 : index
        %parallel_loop3A_536 = tpu.vector_load %arg11[%parallel_loop3A_534, %parallel_loop3A_535] {strides = array<i32>} : memref<128x64xf32, #tpu.memory_space<vmem>>, vector<16xf32>,
        tpu.vector_store %arg11[%parallel_loop3A_534, %parallel_loop3A_535], %parallel_loop3A_533 {strides = array<i32>} : memref<128x64xf32, #tpu.memory_space<vmem>>, vector<16xf32>,
        %parallel_loop3A_537 = arith.index_cast %parallel_loop3A_526 : i32 to index
        %parallel_loop3A_538 = arith.constant 16 : index
        %parallel_loop3A_539 = tpu.vector_load %arg9[%parallel_loop3A_537, %parallel_loop3A_538] {strides = array<i32>} : memref<128x128xf32, #tpu.memory_space<vmem>>, vector<16xf32>,
        %parallel_loop3A_540 = arith.constant 8.000000e+00 : f32
        %parallel_loop3A_541 = vector.broadcast %parallel_loop3A_540 : f32 to vector<16xf32>
        %parallel_loop3A_542 = arith.mulf %parallel_loop3A_539, %parallel_loop3A_541 : vector<16xf32>
        %parallel_loop3A_543 = arith.addf %parallel_loop3A_542, %get3A_359 : vector<16xf32>
        %parallel_loop3A_544 = arith.index_cast %parallel_loop3A_526 : i32 to index
        %parallel_loop3A_545 = arith.constant 16 : index
        %parallel_loop3A_546 = tpu.vector_load %arg11[%parallel_loop3A_544, %parallel_loop3A_545] {strides = array<i32>} : memref<128x64xf32, #tpu.memory_space<vmem>>, vector<16xf32>,
        tpu.vector_store %arg11[%parallel_loop3A_544, %parallel_loop3A_545], %parallel_loop3A_543 {strides = array<i32>} : memref<128x64xf32, #tpu.memory_space<vmem>>, vector<16xf32>,
        %parallel_loop3A_547 = arith.index_cast %parallel_loop3A_526 : i32 to index
        %parallel_loop3A_548 = arith.constant 32 : index
        %parallel_loop3A_549 = tpu.vector_load %arg9[%parallel_loop3A_547, %parallel_loop3A_548] {strides = array<i32>} : memref<128x128xf32, #tpu.memory_space<vmem>>, vector<16xf32>,
        %parallel_loop3A_550 = arith.constant 8.000000e+00 : f32
        %parallel_loop3A_551 = vector.broadcast %parallel_loop3A_550 : f32 to vector<16xf32>
        %parallel_loop3A_552 = arith.mulf %parallel_loop3A_549, %parallel_loop3A_551 : vector<16xf32>
        %parallel_loop3A_553 = arith.addf %parallel_loop3A_552, %get3A_365 : vector<16xf32>
        %parallel_loop3A_554 = arith.index_cast %parallel_loop3A_526 : i32 to index
        %parallel_loop3A_555 = arith.constant 32 : index
        %parallel_loop3A_556 = tpu.vector_load %arg11[%parallel_loop3A_554, %parallel_loop3A_555] {strides = array<i32>} : memref<128x64xf32, #tpu.memory_space<vmem>>, vector<16xf32>,
        tpu.vector_store %arg11[%parallel_loop3A_554, %parallel_loop3A_555], %parallel_loop3A_553 {strides = array<i32>} : memref<128x64xf32, #tpu.memory_space<vmem>>, vector<16xf32>,
        %parallel_loop3A_557 = arith.index_cast %parallel_loop3A_526 : i32 to index
        %parallel_loop3A_558 = arith.constant 48 : index
        %parallel_loop3A_559 = tpu.vector_load %arg9[%parallel_loop3A_557, %parallel_loop3A_558] {strides = array<i32>} : memref<128x128xf32, #tpu.memory_space<vmem>>, vector<16xf32>,
        %parallel_loop3A_560 = arith.constant 8.000000e+00 : f32
        %parallel_loop3A_561 = vector.broadcast %parallel_loop3A_560 : f32 to vector<16xf32>
        %parallel_loop3A_562 = arith.mulf %parallel_loop3A_559, %parallel_loop3A_561 : vector<16xf32>
        %parallel_loop3A_563 = arith.addf %parallel_loop3A_562, %get3A_371 : vector<16xf32>
        %parallel_loop3A_564 = arith.index_cast %parallel_loop3A_526 : i32 to index
        %parallel_loop3A_565 = arith.constant 48 : index
        %parallel_loop3A_566 = tpu.vector_load %arg11[%parallel_loop3A_564, %parallel_loop3A_565] {strides = array<i32>} : memref<128x64xf32, #tpu.memory_space<vmem>>, vector<16xf32>,
        tpu.vector_store %arg11[%parallel_loop3A_564, %parallel_loop3A_565], %parallel_loop3A_563 {strides = array<i32>} : memref<128x64xf32, #tpu.memory_space<vmem>>, vector<16xf32>,
      } {sc.loop_unroll_factor = 2 : i64, sc.parallel_access}
      %dma_start3A_374 = arith.constant 0 : i32
      %dma_start3A_375 = tpu.memref_slice %arg5[%add3A_343, %mul3A_345, %dma_start3A_374] : memref<200x4096x64xf32, #tpu.memory_space<hbm>> -> memref<1x128x64xf32, #tpu.memory_space<hbm>>
      %dma_start3A_376 = tpu.memref_squeeze %dma_start3A_375 : memref<1x128x64xf32, #tpu.memory_space<hbm>> -> memref<128x64xf32, #tpu.memory_space<hbm>>
      %dma_start3A_377 = arith.constant 0 : i32
      %dma_start3A_378 = tpu.memref_slice %arg5[%add3A_343, %mul3A_345, %dma_start3A_377] : memref<200x4096x64xf32, #tpu.memory_space<hbm>> -> memref<1x128x64xf32, #tpu.memory_space<hbm>>
      %dma_start3A_379 = tpu.memref_squeeze %dma_start3A_378 : memref<1x128x64xf32, #tpu.memory_space<hbm>> -> memref<128x64xf32, #tpu.memory_space<hbm>>
      tpu.enqueue_dma source(%arg11 : memref<128x64xf32, #tpu.memory_space<vmem>>) target(%dma_start3A_379 : memref<128x64xf32, #tpu.memory_space<hbm>>) target_semaphore(%arg16 : memref<!tpu.dma_semaphore, #tpu.memory_space<semaphore_mem>>)
      %add3A_380 = arith.constant 2 : i32
      %add3A_381 = arith.addi %add3A_256, %add3A_380 : i32
      %lt3A_382 = arith.constant 200 : i32
      %lt3A_383 = arith.cmpi slt, %add3A_381, %lt3A_382 : i32
      %convert_element_type3A_384 = arith.extui %lt3A_383 : i1 to i32
      %cond3A_385 = arith.constant 0 : i32
      %cond3A_386 = arith.cmpi ne, %convert_element_type3A_384, %cond3A_385 : i32
      scf.if %cond3A_386 {
        %add3A_526 = arith.constant 2 : i32
        %add3A_527 = arith.addi %add3A_256, %add3A_526 : i32
        %jit3A_528 = arith.constant 8 : i32
        %eq3A_529 = arith.constant 0 : i32
        %eq3A_530 = arith.cmpi eq, %jit3A_528, %eq3A_529 : i32
        %jit3A_531 = arith.constant 1 : i32
        %select_n3A_532 = arith.select %eq3A_530, %jit3A_531, %jit3A_528 : i32
        %rem3A_533 = arith.remsi %add3A_527, %select_n3A_532 : i32
        %ne3A_534 = arith.constant 0 : i32
        %ne3A_535 = arith.cmpi ne, %rem3A_533, %ne3A_534 : i32
        %lt3A_536 = arith.constant 0 : i32
        %lt3A_537 = arith.cmpi slt, %rem3A_533, %lt3A_536 : i32
        %lt3A_538 = arith.constant 0 : i32
        %lt3A_539 = arith.cmpi slt, %select_n3A_532, %lt3A_538 : i32
        %ne3A_540 = arith.xori %lt3A_537, %lt3A_539 : i1
        %and3A_541 = arith.andi %ne3A_540, %ne3A_535 : i1
        %add3A_542 = arith.addi %rem3A_533, %select_n3A_532 : i32
        %select_n3A_543 = arith.select %and3A_541, %add3A_542, %rem3A_533 : i32
        %eq3A_544 = arith.constant 0 : i32
        %eq3A_545 = arith.cmpi eq, %select_n3A_543, %eq3A_544 : i32
        %convert_element_type3A_546 = arith.extui %eq3A_545 : i1 to i32
        %cond3A_547 = arith.constant 0 : i32
        %cond3A_548 = arith.cmpi ne, %convert_element_type3A_546, %cond3A_547 : i32
        scf.if %cond3A_548 {
          %jit3A_608 = arith.constant 8 : i32
          %div3A_609 = arith.divsi %add3A_527, %jit3A_608 : i32
          %sign3A_610 = arith.constant 0 : i32
          %sign3A_611 = arith.cmpi sgt, %add3A_527, %sign3A_610 : i32
          %sign3A_612 = arith.extui %sign3A_611 : i1 to i32
          %sign3A_613 = arith.constant 0 : i32
          %sign3A_614 = arith.cmpi slt, %add3A_527, %sign3A_613 : i32
          %sign3A_615 = arith.extui %sign3A_614 : i1 to i32
          %sign3A_616 = arith.subi %sign3A_612, %sign3A_615 : i32
          %sign3A_617 = arith.constant 0 : i32
          %sign3A_618 = arith.cmpi sgt, %jit3A_608, %sign3A_617 : i32
          %sign3A_619 = arith.extui %sign3A_618 : i1 to i32
          %sign3A_620 = arith.constant 0 : i32
          %sign3A_621 = arith.cmpi slt, %jit3A_608, %sign3A_620 : i32
          %sign3A_622 = arith.extui %sign3A_621 : i1 to i32
          %sign3A_623 = arith.subi %sign3A_619, %sign3A_622 : i32
          %ne3A_624 = arith.cmpi ne, %sign3A_616, %sign3A_623 : i32
          %rem3A_625 = arith.remsi %add3A_527, %jit3A_608 : i32
          %ne3A_626 = arith.constant 0 : i32
          %ne3A_627 = arith.cmpi ne, %rem3A_625, %ne3A_626 : i32
          %and3A_628 = arith.andi %ne3A_624, %ne3A_627 : i1
          %sub3A_629 = arith.constant 1 : i32
          %sub3A_630 = arith.subi %div3A_609, %sub3A_629 : i32
          %select_n3A_631 = arith.select %and3A_628, %sub3A_630, %div3A_609 : i32
          %add3A_632 = arith.addi %mul3A_2, %select_n3A_631 : i32
          %jit3A_633 = arith.constant 32 : i32
          %div3A_634 = arith.divsi %add3A_632, %jit3A_633 : i32
          %sign3A_635 = arith.constant 0 : i32
          %sign3A_636 = arith.cmpi sgt, %add3A_632, %sign3A_635 : i32
          %sign3A_637 = arith.extui %sign3A_636 : i1 to i32
          %sign3A_638 = arith.constant 0 : i32
          %sign3A_639 = arith.cmpi slt, %add3A_632, %sign3A_638 : i32
          %sign3A_640 = arith.extui %sign3A_639 : i1 to i32
          %sign3A_641 = arith.subi %sign3A_637, %sign3A_640 : i32
          %sign3A_642 = arith.constant 0 : i32
          %sign3A_643 = arith.cmpi sgt, %jit3A_633, %sign3A_642 : i32
          %sign3A_644 = arith.extui %sign3A_643 : i1 to i32
          %sign3A_645 = arith.constant 0 : i32
          %sign3A_646 = arith.cmpi slt, %jit3A_633, %sign3A_645 : i32
          %sign3A_647 = arith.extui %sign3A_646 : i1 to i32
          %sign3A_648 = arith.subi %sign3A_644, %sign3A_647 : i32
          %ne3A_649 = arith.cmpi ne, %sign3A_641, %sign3A_648 : i32
          %rem3A_650 = arith.remsi %add3A_632, %jit3A_633 : i32
          %ne3A_651 = arith.constant 0 : i32
          %ne3A_652 = arith.cmpi ne, %rem3A_650, %ne3A_651 : i32
          %and3A_653 = arith.andi %ne3A_649, %ne3A_652 : i1
          %sub3A_654 = arith.constant 1 : i32
          %sub3A_655 = arith.subi %div3A_634, %sub3A_654 : i32
          %select_n3A_656 = arith.select %and3A_653, %sub3A_655, %div3A_634 : i32
          %jit3A_657 = arith.constant 32 : i32
          %eq3A_658 = arith.constant 0 : i32
          %eq3A_659 = arith.cmpi eq, %jit3A_657, %eq3A_658 : i32
          %jit3A_660 = arith.constant 1 : i32
          %select_n3A_661 = arith.select %eq3A_659, %jit3A_660, %jit3A_657 : i32
          %rem3A_662 = arith.remsi %add3A_632, %select_n3A_661 : i32
          %ne3A_663 = arith.constant 0 : i32
          %ne3A_664 = arith.cmpi ne, %rem3A_662, %ne3A_663 : i32
          %lt3A_665 = arith.constant 0 : i32
          %lt3A_666 = arith.cmpi slt, %rem3A_662, %lt3A_665 : i32
          %lt3A_667 = arith.constant 0 : i32
          %lt3A_668 = arith.cmpi slt, %select_n3A_661, %lt3A_667 : i32
          %ne3A_669 = arith.xori %lt3A_666, %lt3A_668 : i1
          %and3A_670 = arith.andi %ne3A_669, %ne3A_664 : i1
          %add3A_671 = arith.addi %rem3A_662, %select_n3A_661 : i32
          %select_n3A_672 = arith.select %and3A_670, %add3A_671, %rem3A_662 : i32
          %mul3A_673 = arith.constant 8 : i32
          %mul3A_674 = arith.muli %select_n3A_656, %mul3A_673 : i32
          %mul3A_675 = arith.constant 128 : i32
          %mul3A_676 = arith.muli %select_n3A_672, %mul3A_675 : i32
          "tpu.region"() ({
            %run_scoped3A = tpu.sem_alloc : memref<!tpu.dma_semaphore, #tpu.memory_space<semaphore_mem>>
            %dma_start3A_677 = tpu.memref_slice %arg2[%mul3A_674, %mul3A_676] : memref<200x4096xi32, #tpu.memory_space<hbm>> -> memref<8x128xi32, #tpu.memory_space<hbm>>
            %dma_start3A_678 = tpu.memref_slice %arg2[%mul3A_674, %mul3A_676] : memref<200x4096xi32, #tpu.memory_space<hbm>> -> memref<8x128xi32, #tpu.memory_space<hbm>>
            tpu.enqueue_dma source(%dma_start3A_678 : memref<8x128xi32, #tpu.memory_space<hbm>>) target(%arg6 : memref<8x128xi32, #tpu.memory_space<vmem>>) target_semaphore(%run_scoped3A : memref<!tpu.dma_semaphore, #tpu.memory_space<semaphore_mem>>)
            %dma_wait3A_679 = tpu.memref_slice %arg2[%mul3A_674, %mul3A_676] : memref<200x4096xi32, #tpu.memory_space<hbm>> -> memref<8x128xi32, #tpu.memory_space<hbm>>
            %dma_wait3A_680 = tpu.memref_slice %arg2[%mul3A_674, %mul3A_676] : memref<200x4096xi32, #tpu.memory_space<hbm>> -> memref<8x128xi32, #tpu.memory_space<hbm>>
            tpu.wait_dma2 semaphore(%run_scoped3A : memref<!tpu.dma_semaphore, #tpu.memory_space<semaphore_mem>>) src(%dma_wait3A_680 : memref<8x128xi32, #tpu.memory_space<hbm>>) dst(%arg6 : memref<8x128xi32, #tpu.memory_space<vmem>>)
            tpu.yield
          }) : () -> ()
        } else {
        }
        %jit3A_549 = arith.constant 8 : i32
        %eq3A_550 = arith.constant 0 : i32
        %eq3A_551 = arith.cmpi eq, %jit3A_549, %eq3A_550 : i32
        %jit3A_552 = arith.constant 1 : i32
        %select_n3A_553 = arith.select %eq3A_551, %jit3A_552, %jit3A_549 : i32
        %rem3A_554 = arith.remsi %add3A_527, %select_n3A_553 : i32
        %ne3A_555 = arith.constant 0 : i32
        %ne3A_556 = arith.cmpi ne, %rem3A_554, %ne3A_555 : i32
        %lt3A_557 = arith.constant 0 : i32
        %lt3A_558 = arith.cmpi slt, %rem3A_554, %lt3A_557 : i32
        %lt3A_559 = arith.constant 0 : i32
        %lt3A_560 = arith.cmpi slt, %select_n3A_553, %lt3A_559 : i32
        %ne3A_561 = arith.xori %lt3A_558, %lt3A_560 : i1
        %and3A_562 = arith.andi %ne3A_561, %ne3A_556 : i1
        %add3A_563 = arith.addi %rem3A_554, %select_n3A_553 : i32
        %select_n3A_564 = arith.select %and3A_562, %add3A_563, %rem3A_554 : i32
        %get3A_565 = arith.index_cast %select_n3A_564 : i32 to index
        %get3A_566 = arith.constant 0 : index
        %get3A_567 = tpu.vector_load %arg6[%get3A_565, %get3A_566] {strides = array<i32>} : memref<8x128xi32, #tpu.memory_space<vmem>>, vector<16xi32>,
        %swap3A_568 = arith.constant 0 : index
        %swap3A_569 = tpu.vector_load %arg7[%swap3A_568] {strides = array<i32>} : memref<128xi32, #tpu.memory_space<vmem>>, vector<16xi32>,
        tpu.vector_store %arg7[%swap3A_568], %get3A_567 {strides = array<i32>} : memref<128xi32, #tpu.memory_space<vmem>>, vector<16xi32>,
        %get3A_570 = arith.index_cast %select_n3A_564 : i32 to index
        %get3A_571 = arith.constant 16 : index
        %get3A_572 = tpu.vector_load %arg6[%get3A_570, %get3A_571] {strides = array<i32>} : memref<8x128xi32, #tpu.memory_space<vmem>>, vector<16xi32>,
        %swap3A_573 = arith.constant 16 : index
        %swap3A_574 = tpu.vector_load %arg7[%swap3A_573] {strides = array<i32>} : memref<128xi32, #tpu.memory_space<vmem>>, vector<16xi32>,
        tpu.vector_store %arg7[%swap3A_573], %get3A_572 {strides = array<i32>} : memref<128xi32, #tpu.memory_space<vmem>>, vector<16xi32>,
        %get3A_575 = arith.index_cast %select_n3A_564 : i32 to index
        %get3A_576 = arith.constant 32 : index
        %get3A_577 = tpu.vector_load %arg6[%get3A_575, %get3A_576] {strides = array<i32>} : memref<8x128xi32, #tpu.memory_space<vmem>>, vector<16xi32>,
        %swap3A_578 = arith.constant 32 : index
        %swap3A_579 = tpu.vector_load %arg7[%swap3A_578] {strides = array<i32>} : memref<128xi32, #tpu.memory_space<vmem>>, vector<16xi32>,
        tpu.vector_store %arg7[%swap3A_578], %get3A_577 {strides = array<i32>} : memref<128xi32, #tpu.memory_space<vmem>>, vector<16xi32>,
        %get3A_580 = arith.index_cast %select_n3A_564 : i32 to index
        %get3A_581 = arith.constant 48 : index
        %get3A_582 = tpu.vector_load %arg6[%get3A_580, %get3A_581] {strides = array<i32>} : memref<8x128xi32, #tpu.memory_space<vmem>>, vector<16xi32>,
        %swap3A_583 = arith.constant 48 : index
        %swap3A_584 = tpu.vector_load %arg7[%swap3A_583] {strides = array<i32>} : memref<128xi32, #tpu.memory_space<vmem>>, vector<16xi32>,
        tpu.vector_store %arg7[%swap3A_583], %get3A_582 {strides = array<i32>} : memref<128xi32, #tpu.memory_space<vmem>>, vector<16xi32>,
        %get3A_585 = arith.index_cast %select_n3A_564 : i32 to index
        %get3A_586 = arith.constant 64 : index
        %get3A_587 = tpu.vector_load %arg6[%get3A_585, %get3A_586] {strides = array<i32>} : memref<8x128xi32, #tpu.memory_space<vmem>>, vector<16xi32>,
        %swap3A_588 = arith.constant 64 : index
        %swap3A_589 = tpu.vector_load %arg7[%swap3A_588] {strides = array<i32>} : memref<128xi32, #tpu.memory_space<vmem>>, vector<16xi32>,
        tpu.vector_store %arg7[%swap3A_588], %get3A_587 {strides = array<i32>} : memref<128xi32, #tpu.memory_space<vmem>>, vector<16xi32>,
        %get3A_590 = arith.index_cast %select_n3A_564 : i32 to index
        %get3A_591 = arith.constant 80 : index
        %get3A_592 = tpu.vector_load %arg6[%get3A_590, %get3A_591] {strides = array<i32>} : memref<8x128xi32, #tpu.memory_space<vmem>>, vector<16xi32>,
        %swap3A_593 = arith.constant 80 : index
        %swap3A_594 = tpu.vector_load %arg7[%swap3A_593] {strides = array<i32>} : memref<128xi32, #tpu.memory_space<vmem>>, vector<16xi32>,
        tpu.vector_store %arg7[%swap3A_593], %get3A_592 {strides = array<i32>} : memref<128xi32, #tpu.memory_space<vmem>>, vector<16xi32>,
        %get3A_595 = arith.index_cast %select_n3A_564 : i32 to index
        %get3A_596 = arith.constant 96 : index
        %get3A_597 = tpu.vector_load %arg6[%get3A_595, %get3A_596] {strides = array<i32>} : memref<8x128xi32, #tpu.memory_space<vmem>>, vector<16xi32>,
        %swap3A_598 = arith.constant 96 : index
        %swap3A_599 = tpu.vector_load %arg7[%swap3A_598] {strides = array<i32>} : memref<128xi32, #tpu.memory_space<vmem>>, vector<16xi32>,
        tpu.vector_store %arg7[%swap3A_598], %get3A_597 {strides = array<i32>} : memref<128xi32, #tpu.memory_space<vmem>>, vector<16xi32>,
        %get3A_600 = arith.index_cast %select_n3A_564 : i32 to index
        %get3A_601 = arith.constant 112 : index
        %get3A_602 = tpu.vector_load %arg6[%get3A_600, %get3A_601] {strides = array<i32>} : memref<8x128xi32, #tpu.memory_space<vmem>>, vector<16xi32>,
        %swap3A_603 = arith.constant 112 : index
        %swap3A_604 = tpu.vector_load %arg7[%swap3A_603] {strides = array<i32>} : memref<128xi32, #tpu.memory_space<vmem>>, vector<16xi32>,
        tpu.vector_store %arg7[%swap3A_603], %get3A_602 {strides = array<i32>} : memref<128xi32, #tpu.memory_space<vmem>>, vector<16xi32>,
        %dma_start3A_605 = arith.constant 0 : i32
        %dma_start3A_606 = arith.constant 0 : i32
        %dma_start3A_607 = tpu.memref_slice %arg3[%dma_start3A_605, %dma_start3A_606] : memref<1000000x128xf32, #tpu.memory_space<hbm>> -> memref<1000000x128xf32, #tpu.memory_space<hbm>>
        tpu.enqueue_indirect_dma source(%dma_start3A_607 : memref<1000000x128xf32, #tpu.memory_space<hbm>>) target(%arg9 : memref<128x128xf32, #tpu.memory_space<vmem>>) offsets(%arg7 : memref<128xi32, #tpu.memory_space<vmem>>) semaphore(%arg14 : memref<!tpu.dma_semaphore, #tpu.memory_space<semaphore_mem>>)
      } else {
      }
      %mul3A_387 = arith.constant 2 : i32
      %mul3A_388 = arith.muli %scan3A_251, %mul3A_387 : i32
      %add3A_389 = arith.constant 1 : i32
      %add3A_390 = arith.addi %mul3A_388, %add3A_389 : i32
      %dma_wait3A_391 = arith.constant 0 : i32
      %dma_wait3A_392 = arith.constant 0 : i32
      %dma_wait3A_393 = tpu.memref_slice %arg3[%dma_wait3A_391, %dma_wait3A_392] : memref<1000000x128xf32, #tpu.memory_space<hbm>> -> memref<1000000x128xf32, #tpu.memory_space<hbm>>
      tpu.wait_indirect_dma semaphore(%arg15 : memref<!tpu.dma_semaphore, #tpu.memory_space<semaphore_mem>>) src(%dma_wait3A_393 : memref<1000000x128xf32, #tpu.memory_space<hbm>>) dst(%arg10 : memref<128x128xf32, #tpu.memory_space<vmem>>)
      %jit3A_394 = arith.constant 8 : i32
      %div3A_395 = arith.divsi %add3A_390, %jit3A_394 : i32
      %sign3A_396 = arith.constant 0 : i32
      %sign3A_397 = arith.cmpi sgt, %add3A_390, %sign3A_396 : i32
      %sign3A_398 = arith.extui %sign3A_397 : i1 to i32
      %sign3A_399 = arith.constant 0 : i32
      %sign3A_400 = arith.cmpi slt, %add3A_390, %sign3A_399 : i32
      %sign3A_401 = arith.extui %sign3A_400 : i1 to i32
      %sign3A_402 = arith.subi %sign3A_398, %sign3A_401 : i32
      %sign3A_403 = arith.constant 0 : i32
      %sign3A_404 = arith.cmpi sgt, %jit3A_394, %sign3A_403 : i32
      %sign3A_405 = arith.extui %sign3A_404 : i1 to i32
      %sign3A_406 = arith.constant 0 : i32
      %sign3A_407 = arith.cmpi slt, %jit3A_394, %sign3A_406 : i32
      %sign3A_408 = arith.extui %sign3A_407 : i1 to i32
      %sign3A_409 = arith.subi %sign3A_405, %sign3A_408 : i32
      %ne3A_410 = arith.cmpi ne, %sign3A_402, %sign3A_409 : i32
      %rem3A_411 = arith.remsi %add3A_390, %jit3A_394 : i32
      %ne3A_412 = arith.constant 0 : i32
      %ne3A_413 = arith.cmpi ne, %rem3A_411, %ne3A_412 : i32
      %and3A_414 = arith.andi %ne3A_410, %ne3A_413 : i1
      %sub3A_415 = arith.constant 1 : i32
      %sub3A_416 = arith.subi %div3A_395, %sub3A_415 : i32
      %select_n3A_417 = arith.select %and3A_414, %sub3A_416, %div3A_395 : i32
      %add3A_418 = arith.addi %mul3A_2, %select_n3A_417 : i32
      %jit3A_419 = arith.constant 32 : i32
      %div3A_420 = arith.divsi %add3A_418, %jit3A_419 : i32
      %sign3A_421 = arith.constant 0 : i32
      %sign3A_422 = arith.cmpi sgt, %add3A_418, %sign3A_421 : i32
      %sign3A_423 = arith.extui %sign3A_422 : i1 to i32
      %sign3A_424 = arith.constant 0 : i32
      %sign3A_425 = arith.cmpi slt, %add3A_418, %sign3A_424 : i32
      %sign3A_426 = arith.extui %sign3A_425 : i1 to i32
      %sign3A_427 = arith.subi %sign3A_423, %sign3A_426 : i32
      %sign3A_428 = arith.constant 0 : i32
      %sign3A_429 = arith.cmpi sgt, %jit3A_419, %sign3A_428 : i32
      %sign3A_430 = arith.extui %sign3A_429 : i1 to i32
      %sign3A_431 = arith.constant 0 : i32
      %sign3A_432 = arith.cmpi slt, %jit3A_419, %sign3A_431 : i32
      %sign3A_433 = arith.extui %sign3A_432 : i1 to i32
      %sign3A_434 = arith.subi %sign3A_430, %sign3A_433 : i32
      %ne3A_435 = arith.cmpi ne, %sign3A_427, %sign3A_434 : i32
      %rem3A_436 = arith.remsi %add3A_418, %jit3A_419 : i32
      %ne3A_437 = arith.constant 0 : i32
      %ne3A_438 = arith.cmpi ne, %rem3A_436, %ne3A_437 : i32
      %and3A_439 = arith.andi %ne3A_435, %ne3A_438 : i1
      %sub3A_440 = arith.constant 1 : i32
      %sub3A_441 = arith.subi %div3A_420, %sub3A_440 : i32
      %select_n3A_442 = arith.select %and3A_439, %sub3A_441, %div3A_420 : i32
      %jit3A_443 = arith.constant 32 : i32
      %eq3A_444 = arith.constant 0 : i32
      %eq3A_445 = arith.cmpi eq, %jit3A_443, %eq3A_444 : i32
      %jit3A_446 = arith.constant 1 : i32
      %select_n3A_447 = arith.select %eq3A_445, %jit3A_446, %jit3A_443 : i32
      %rem3A_448 = arith.remsi %add3A_418, %select_n3A_447 : i32
      %ne3A_449 = arith.constant 0 : i32
      %ne3A_450 = arith.cmpi ne, %rem3A_448, %ne3A_449 : i32
      %lt3A_451 = arith.constant 0 : i32
      %lt3A_452 = arith.cmpi slt, %rem3A_448, %lt3A_451 : i32
      %lt3A_453 = arith.constant 0 : i32
      %lt3A_454 = arith.cmpi slt, %select_n3A_447, %lt3A_453 : i32
      %ne3A_455 = arith.xori %lt3A_452, %lt3A_454 : i1
      %and3A_456 = arith.andi %ne3A_455, %ne3A_450 : i1
      %add3A_457 = arith.addi %rem3A_448, %select_n3A_447 : i32
      %select_n3A_458 = arith.select %and3A_456, %add3A_457, %rem3A_448 : i32
      %mul3A_459 = arith.constant 8 : i32
      %mul3A_460 = arith.muli %select_n3A_442, %mul3A_459 : i32
      %jit3A_461 = arith.constant 8 : i32
      %eq3A_462 = arith.constant 0 : i32
      %eq3A_463 = arith.cmpi eq, %jit3A_461, %eq3A_462 : i32
      %jit3A_464 = arith.constant 1 : i32
      %select_n3A_465 = arith.select %eq3A_463, %jit3A_464, %jit3A_461 : i32
      %rem3A_466 = arith.remsi %add3A_390, %select_n3A_465 : i32
      %ne3A_467 = arith.constant 0 : i32
      %ne3A_468 = arith.cmpi ne, %rem3A_466, %ne3A_467 : i32
      %lt3A_469 = arith.constant 0 : i32
      %lt3A_470 = arith.cmpi slt, %rem3A_466, %lt3A_469 : i32
      %lt3A_471 = arith.constant 0 : i32
      %lt3A_472 = arith.cmpi slt, %select_n3A_465, %lt3A_471 : i32
      %ne3A_473 = arith.xori %lt3A_470, %lt3A_472 : i1
      %and3A_474 = arith.andi %ne3A_473, %ne3A_468 : i1
      %add3A_475 = arith.addi %rem3A_466, %select_n3A_465 : i32
      %select_n3A_476 = arith.select %and3A_474, %add3A_475, %rem3A_466 : i32
      %add3A_477 = arith.addi %mul3A_460, %select_n3A_476 : i32
      %mul3A_478 = arith.constant 128 : i32
      %mul3A_479 = arith.muli %select_n3A_458, %mul3A_478 : i32
      %ge3A_480 = arith.constant 2 : i32
      %ge3A_481 = arith.cmpi sge, %add3A_390, %ge3A_480 : i32
      %convert_element_type3A_482 = arith.extui %ge3A_481 : i1 to i32
      %cond3A_483 = arith.constant 0 : i32
      %cond3A_484 = arith.cmpi ne, %convert_element_type3A_482, %cond3A_483 : i32
      scf.if %cond3A_484 {
        %dma_wait3A_526 = arith.constant 0 : i32
        %dma_wait3A_527 = tpu.memref_slice %arg5[%add3A_477, %mul3A_479, %dma_wait3A_526] : memref<200x4096x64xf32, #tpu.memory_space<hbm>> -> memref<1x128x64xf32, #tpu.memory_space<hbm>>
        %dma_wait3A_528 = tpu.memref_squeeze %dma_wait3A_527 : memref<1x128x64xf32, #tpu.memory_space<hbm>> -> memref<128x64xf32, #tpu.memory_space<hbm>>
        %dma_wait3A_529 = arith.constant 0 : i32
        %dma_wait3A_530 = tpu.memref_slice %arg5[%add3A_477, %mul3A_479, %dma_wait3A_529] : memref<200x4096x64xf32, #tpu.memory_space<hbm>> -> memref<1x128x64xf32, #tpu.memory_space<hbm>>
        %dma_wait3A_531 = tpu.memref_squeeze %dma_wait3A_530 : memref<1x128x64xf32, #tpu.memory_space<hbm>> -> memref<128x64xf32, #tpu.memory_space<hbm>>
        tpu.wait_dma2 semaphore(%arg17 : memref<!tpu.dma_semaphore, #tpu.memory_space<semaphore_mem>>) src(%arg12 : memref<128x64xf32, #tpu.memory_space<vmem>>) dst(%dma_wait3A_531 : memref<128x64xf32, #tpu.memory_space<hbm>>)
      } else {
      }
      %mul3A_485 = arith.constant 64 : i32
      %mul3A_486 = arith.muli %add3A_477, %mul3A_485 : i32
      %add3A_487 = arith.constant 0 : i32
      %add3A_488 = arith.addi %mul3A_486, %add3A_487 : i32
      %get3A_489 = arith.index_cast %add3A_488 : i32 to index
      %get3A_490 = tpu.vector_load %arg13[%get3A_489] {strides = array<i32>} : memref<12800xf32, #tpu.memory_space<vmem>>, vector<16xf32>,
      %mul3A_491 = arith.constant 64 : i32
      %mul3A_492 = arith.muli %add3A_477, %mul3A_491 : i32
      %add3A_493 = arith.constant 16 : i32
      %add3A_494 = arith.addi %mul3A_492, %add3A_493 : i32
      %get3A_495 = arith.index_cast %add3A_494 : i32 to index
      %get3A_496 = tpu.vector_load %arg13[%get3A_495] {strides = array<i32>} : memref<12800xf32, #tpu.memory_space<vmem>>, vector<16xf32>,
      %mul3A_497 = arith.constant 64 : i32
      %mul3A_498 = arith.muli %add3A_477, %mul3A_497 : i32
      %add3A_499 = arith.constant 32 : i32
      %add3A_500 = arith.addi %mul3A_498, %add3A_499 : i32
      %get3A_501 = arith.index_cast %add3A_500 : i32 to index
      %get3A_502 = tpu.vector_load %arg13[%get3A_501] {strides = array<i32>} : memref<12800xf32, #tpu.memory_space<vmem>>, vector<16xf32>,
      %mul3A_503 = arith.constant 64 : i32
      %mul3A_504 = arith.muli %add3A_477, %mul3A_503 : i32
      %add3A_505 = arith.constant 48 : i32
      %add3A_506 = arith.addi %mul3A_504, %add3A_505 : i32
      %get3A_507 = arith.index_cast %add3A_506 : i32 to index
      %get3A_508 = tpu.vector_load %arg13[%get3A_507] {strides = array<i32>} : memref<12800xf32, #tpu.memory_space<vmem>>, vector<16xf32>,
      %parallel_loop3A_509 = arith.constant 0 : i32
      %parallel_loop3A_510 = arith.constant 128 : i32
      %parallel_loop3A_511 = arith.constant 1 : i32
      scf.for %parallel_loop3A_526 = %parallel_loop3A_509 to %parallel_loop3A_510 step %parallel_loop3A_511  : i32 {
        %parallel_loop3A_527 = arith.index_cast %parallel_loop3A_526 : i32 to index
        %parallel_loop3A_528 = arith.constant 0 : index
        %parallel_loop3A_529 = tpu.vector_load %arg10[%parallel_loop3A_527, %parallel_loop3A_528] {strides = array<i32>} : memref<128x128xf32, #tpu.memory_space<vmem>>, vector<16xf32>,
        %parallel_loop3A_530 = arith.constant 8.000000e+00 : f32
        %parallel_loop3A_531 = vector.broadcast %parallel_loop3A_530 : f32 to vector<16xf32>
        %parallel_loop3A_532 = arith.mulf %parallel_loop3A_529, %parallel_loop3A_531 : vector<16xf32>
        %parallel_loop3A_533 = arith.addf %parallel_loop3A_532, %get3A_490 : vector<16xf32>
        %parallel_loop3A_534 = arith.index_cast %parallel_loop3A_526 : i32 to index
        %parallel_loop3A_535 = arith.constant 0 : index
        %parallel_loop3A_536 = tpu.vector_load %arg12[%parallel_loop3A_534, %parallel_loop3A_535] {strides = array<i32>} : memref<128x64xf32, #tpu.memory_space<vmem>>, vector<16xf32>,
        tpu.vector_store %arg12[%parallel_loop3A_534, %parallel_loop3A_535], %parallel_loop3A_533 {strides = array<i32>} : memref<128x64xf32, #tpu.memory_space<vmem>>, vector<16xf32>,
        %parallel_loop3A_537 = arith.index_cast %parallel_loop3A_526 : i32 to index
        %parallel_loop3A_538 = arith.constant 16 : index
        %parallel_loop3A_539 = tpu.vector_load %arg10[%parallel_loop3A_537, %parallel_loop3A_538] {strides = array<i32>} : memref<128x128xf32, #tpu.memory_space<vmem>>, vector<16xf32>,
        %parallel_loop3A_540 = arith.constant 8.000000e+00 : f32
        %parallel_loop3A_541 = vector.broadcast %parallel_loop3A_540 : f32 to vector<16xf32>
        %parallel_loop3A_542 = arith.mulf %parallel_loop3A_539, %parallel_loop3A_541 : vector<16xf32>
        %parallel_loop3A_543 = arith.addf %parallel_loop3A_542, %get3A_496 : vector<16xf32>
        %parallel_loop3A_544 = arith.index_cast %parallel_loop3A_526 : i32 to index
        %parallel_loop3A_545 = arith.constant 16 : index
        %parallel_loop3A_546 = tpu.vector_load %arg12[%parallel_loop3A_544, %parallel_loop3A_545] {strides = array<i32>} : memref<128x64xf32, #tpu.memory_space<vmem>>, vector<16xf32>,
        tpu.vector_store %arg12[%parallel_loop3A_544, %parallel_loop3A_545], %parallel_loop3A_543 {strides = array<i32>} : memref<128x64xf32, #tpu.memory_space<vmem>>, vector<16xf32>,
        %parallel_loop3A_547 = arith.index_cast %parallel_loop3A_526 : i32 to index
        %parallel_loop3A_548 = arith.constant 32 : index
        %parallel_loop3A_549 = tpu.vector_load %arg10[%parallel_loop3A_547, %parallel_loop3A_548] {strides = array<i32>} : memref<128x128xf32, #tpu.memory_space<vmem>>, vector<16xf32>,
        %parallel_loop3A_550 = arith.constant 8.000000e+00 : f32
        %parallel_loop3A_551 = vector.broadcast %parallel_loop3A_550 : f32 to vector<16xf32>
        %parallel_loop3A_552 = arith.mulf %parallel_loop3A_549, %parallel_loop3A_551 : vector<16xf32>
        %parallel_loop3A_553 = arith.addf %parallel_loop3A_552, %get3A_502 : vector<16xf32>
        %parallel_loop3A_554 = arith.index_cast %parallel_loop3A_526 : i32 to index
        %parallel_loop3A_555 = arith.constant 32 : index
        %parallel_loop3A_556 = tpu.vector_load %arg12[%parallel_loop3A_554, %parallel_loop3A_555] {strides = array<i32>} : memref<128x64xf32, #tpu.memory_space<vmem>>, vector<16xf32>,
        tpu.vector_store %arg12[%parallel_loop3A_554, %parallel_loop3A_555], %parallel_loop3A_553 {strides = array<i32>} : memref<128x64xf32, #tpu.memory_space<vmem>>, vector<16xf32>,
        %parallel_loop3A_557 = arith.index_cast %parallel_loop3A_526 : i32 to index
        %parallel_loop3A_558 = arith.constant 48 : index
        %parallel_loop3A_559 = tpu.vector_load %arg10[%parallel_loop3A_557, %parallel_loop3A_558] {strides = array<i32>} : memref<128x128xf32, #tpu.memory_space<vmem>>, vector<16xf32>,
        %parallel_loop3A_560 = arith.constant 8.000000e+00 : f32
        %parallel_loop3A_561 = vector.broadcast %parallel_loop3A_560 : f32 to vector<16xf32>
        %parallel_loop3A_562 = arith.mulf %parallel_loop3A_559, %parallel_loop3A_561 : vector<16xf32>
        %parallel_loop3A_563 = arith.addf %parallel_loop3A_562, %get3A_508 : vector<16xf32>
        %parallel_loop3A_564 = arith.index_cast %parallel_loop3A_526 : i32 to index
        %parallel_loop3A_565 = arith.constant 48 : index
        %parallel_loop3A_566 = tpu.vector_load %arg12[%parallel_loop3A_564, %parallel_loop3A_565] {strides = array<i32>} : memref<128x64xf32, #tpu.memory_space<vmem>>, vector<16xf32>,
        tpu.vector_store %arg12[%parallel_loop3A_564, %parallel_loop3A_565], %parallel_loop3A_563 {strides = array<i32>} : memref<128x64xf32, #tpu.memory_space<vmem>>, vector<16xf32>,
      } {sc.loop_unroll_factor = 2 : i64, sc.parallel_access}
      %dma_start3A_512 = arith.constant 0 : i32
      %dma_start3A_513 = tpu.memref_slice %arg5[%add3A_477, %mul3A_479, %dma_start3A_512] : memref<200x4096x64xf32, #tpu.memory_space<hbm>> -> memref<1x128x64xf32, #tpu.memory_space<hbm>>
      %dma_start3A_514 = tpu.memref_squeeze %dma_start3A_513 : memref<1x128x64xf32, #tpu.memory_space<hbm>> -> memref<128x64xf32, #tpu.memory_space<hbm>>
      %dma_start3A_515 = arith.constant 0 : i32
      %dma_start3A_516 = tpu.memref_slice %arg5[%add3A_477, %mul3A_479, %dma_start3A_515] : memref<200x4096x64xf32, #tpu.memory_space<hbm>> -> memref<1x128x64xf32, #tpu.memory_space<hbm>>
      %dma_start3A_517 = tpu.memref_squeeze %dma_start3A_516 : memref<1x128x64xf32, #tpu.memory_space<hbm>> -> memref<128x64xf32, #tpu.memory_space<hbm>>
      tpu.enqueue_dma source(%arg12 : memref<128x64xf32, #tpu.memory_space<vmem>>) target(%dma_start3A_517 : memref<128x64xf32, #tpu.memory_space<hbm>>) target_semaphore(%arg17 : memref<!tpu.dma_semaphore, #tpu.memory_space<semaphore_mem>>)
      %add3A_518 = arith.constant 2 : i32
      %add3A_519 = arith.addi %add3A_390, %add3A_518 : i32
      %lt3A_520 = arith.constant 200 : i32
      %lt3A_521 = arith.cmpi slt, %add3A_519, %lt3A_520 : i32
      %convert_element_type3A_522 = arith.extui %lt3A_521 : i1 to i32
      %cond3A_523 = arith.constant 0 : i32
      %cond3A_524 = arith.cmpi ne, %convert_element_type3A_522, %cond3A_523 : i32
      scf.if %cond3A_524 {
        %add3A_526 = arith.constant 2 : i32
        %add3A_527 = arith.addi %add3A_390, %add3A_526 : i32
        %jit3A_528 = arith.constant 8 : i32
        %eq3A_529 = arith.constant 0 : i32
        %eq3A_530 = arith.cmpi eq, %jit3A_528, %eq3A_529 : i32
        %jit3A_531 = arith.constant 1 : i32
        %select_n3A_532 = arith.select %eq3A_530, %jit3A_531, %jit3A_528 : i32
        %rem3A_533 = arith.remsi %add3A_527, %select_n3A_532 : i32
        %ne3A_534 = arith.constant 0 : i32
        %ne3A_535 = arith.cmpi ne, %rem3A_533, %ne3A_534 : i32
        %lt3A_536 = arith.constant 0 : i32
        %lt3A_537 = arith.cmpi slt, %rem3A_533, %lt3A_536 : i32
        %lt3A_538 = arith.constant 0 : i32
        %lt3A_539 = arith.cmpi slt, %select_n3A_532, %lt3A_538 : i32
        %ne3A_540 = arith.xori %lt3A_537, %lt3A_539 : i1
        %and3A_541 = arith.andi %ne3A_540, %ne3A_535 : i1
        %add3A_542 = arith.addi %rem3A_533, %select_n3A_532 : i32
        %select_n3A_543 = arith.select %and3A_541, %add3A_542, %rem3A_533 : i32
        %eq3A_544 = arith.constant 0 : i32
        %eq3A_545 = arith.cmpi eq, %select_n3A_543, %eq3A_544 : i32
        %convert_element_type3A_546 = arith.extui %eq3A_545 : i1 to i32
        %cond3A_547 = arith.constant 0 : i32
        %cond3A_548 = arith.cmpi ne, %convert_element_type3A_546, %cond3A_547 : i32
        scf.if %cond3A_548 {
          %jit3A_608 = arith.constant 8 : i32
          %div3A_609 = arith.divsi %add3A_527, %jit3A_608 : i32
          %sign3A_610 = arith.constant 0 : i32
          %sign3A_611 = arith.cmpi sgt, %add3A_527, %sign3A_610 : i32
          %sign3A_612 = arith.extui %sign3A_611 : i1 to i32
          %sign3A_613 = arith.constant 0 : i32
          %sign3A_614 = arith.cmpi slt, %add3A_527, %sign3A_613 : i32
          %sign3A_615 = arith.extui %sign3A_614 : i1 to i32
          %sign3A_616 = arith.subi %sign3A_612, %sign3A_615 : i32
          %sign3A_617 = arith.constant 0 : i32
          %sign3A_618 = arith.cmpi sgt, %jit3A_608, %sign3A_617 : i32
          %sign3A_619 = arith.extui %sign3A_618 : i1 to i32
          %sign3A_620 = arith.constant 0 : i32
          %sign3A_621 = arith.cmpi slt, %jit3A_608, %sign3A_620 : i32
          %sign3A_622 = arith.extui %sign3A_621 : i1 to i32
          %sign3A_623 = arith.subi %sign3A_619, %sign3A_622 : i32
          %ne3A_624 = arith.cmpi ne, %sign3A_616, %sign3A_623 : i32
          %rem3A_625 = arith.remsi %add3A_527, %jit3A_608 : i32
          %ne3A_626 = arith.constant 0 : i32
          %ne3A_627 = arith.cmpi ne, %rem3A_625, %ne3A_626 : i32
          %and3A_628 = arith.andi %ne3A_624, %ne3A_627 : i1
          %sub3A_629 = arith.constant 1 : i32
          %sub3A_630 = arith.subi %div3A_609, %sub3A_629 : i32
          %select_n3A_631 = arith.select %and3A_628, %sub3A_630, %div3A_609 : i32
          %add3A_632 = arith.addi %mul3A_2, %select_n3A_631 : i32
          %jit3A_633 = arith.constant 32 : i32
          %div3A_634 = arith.divsi %add3A_632, %jit3A_633 : i32
          %sign3A_635 = arith.constant 0 : i32
          %sign3A_636 = arith.cmpi sgt, %add3A_632, %sign3A_635 : i32
          %sign3A_637 = arith.extui %sign3A_636 : i1 to i32
          %sign3A_638 = arith.constant 0 : i32
          %sign3A_639 = arith.cmpi slt, %add3A_632, %sign3A_638 : i32
          %sign3A_640 = arith.extui %sign3A_639 : i1 to i32
          %sign3A_641 = arith.subi %sign3A_637, %sign3A_640 : i32
          %sign3A_642 = arith.constant 0 : i32
          %sign3A_643 = arith.cmpi sgt, %jit3A_633, %sign3A_642 : i32
          %sign3A_644 = arith.extui %sign3A_643 : i1 to i32
          %sign3A_645 = arith.constant 0 : i32
          %sign3A_646 = arith.cmpi slt, %jit3A_633, %sign3A_645 : i32
          %sign3A_647 = arith.extui %sign3A_646 : i1 to i32
          %sign3A_648 = arith.subi %sign3A_644, %sign3A_647 : i32
          %ne3A_649 = arith.cmpi ne, %sign3A_641, %sign3A_648 : i32
          %rem3A_650 = arith.remsi %add3A_632, %jit3A_633 : i32
          %ne3A_651 = arith.constant 0 : i32
          %ne3A_652 = arith.cmpi ne, %rem3A_650, %ne3A_651 : i32
          %and3A_653 = arith.andi %ne3A_649, %ne3A_652 : i1
          %sub3A_654 = arith.constant 1 : i32
          %sub3A_655 = arith.subi %div3A_634, %sub3A_654 : i32
          %select_n3A_656 = arith.select %and3A_653, %sub3A_655, %div3A_634 : i32
          %jit3A_657 = arith.constant 32 : i32
          %eq3A_658 = arith.constant 0 : i32
          %eq3A_659 = arith.cmpi eq, %jit3A_657, %eq3A_658 : i32
          %jit3A_660 = arith.constant 1 : i32
          %select_n3A_661 = arith.select %eq3A_659, %jit3A_660, %jit3A_657 : i32
          %rem3A_662 = arith.remsi %add3A_632, %select_n3A_661 : i32
          %ne3A_663 = arith.constant 0 : i32
          %ne3A_664 = arith.cmpi ne, %rem3A_662, %ne3A_663 : i32
          %lt3A_665 = arith.constant 0 : i32
          %lt3A_666 = arith.cmpi slt, %rem3A_662, %lt3A_665 : i32
          %lt3A_667 = arith.constant 0 : i32
          %lt3A_668 = arith.cmpi slt, %select_n3A_661, %lt3A_667 : i32
          %ne3A_669 = arith.xori %lt3A_666, %lt3A_668 : i1
          %and3A_670 = arith.andi %ne3A_669, %ne3A_664 : i1
          %add3A_671 = arith.addi %rem3A_662, %select_n3A_661 : i32
          %select_n3A_672 = arith.select %and3A_670, %add3A_671, %rem3A_662 : i32
          %mul3A_673 = arith.constant 8 : i32
          %mul3A_674 = arith.muli %select_n3A_656, %mul3A_673 : i32
          %mul3A_675 = arith.constant 128 : i32
          %mul3A_676 = arith.muli %select_n3A_672, %mul3A_675 : i32
          "tpu.region"() ({
            %run_scoped3A = tpu.sem_alloc : memref<!tpu.dma_semaphore, #tpu.memory_space<semaphore_mem>>
            %dma_start3A_677 = tpu.memref_slice %arg2[%mul3A_674, %mul3A_676] : memref<200x4096xi32, #tpu.memory_space<hbm>> -> memref<8x128xi32, #tpu.memory_space<hbm>>
            %dma_start3A_678 = tpu.memref_slice %arg2[%mul3A_674, %mul3A_676] : memref<200x4096xi32, #tpu.memory_space<hbm>> -> memref<8x128xi32, #tpu.memory_space<hbm>>
            tpu.enqueue_dma source(%dma_start3A_678 : memref<8x128xi32, #tpu.memory_space<hbm>>) target(%arg6 : memref<8x128xi32, #tpu.memory_space<vmem>>) target_semaphore(%run_scoped3A : memref<!tpu.dma_semaphore, #tpu.memory_space<semaphore_mem>>)
            %dma_wait3A_679 = tpu.memref_slice %arg2[%mul3A_674, %mul3A_676] : memref<200x4096xi32, #tpu.memory_space<hbm>> -> memref<8x128xi32, #tpu.memory_space<hbm>>
            %dma_wait3A_680 = tpu.memref_slice %arg2[%mul3A_674, %mul3A_676] : memref<200x4096xi32, #tpu.memory_space<hbm>> -> memref<8x128xi32, #tpu.memory_space<hbm>>
            tpu.wait_dma2 semaphore(%run_scoped3A : memref<!tpu.dma_semaphore, #tpu.memory_space<semaphore_mem>>) src(%dma_wait3A_680 : memref<8x128xi32, #tpu.memory_space<hbm>>) dst(%arg6 : memref<8x128xi32, #tpu.memory_space<vmem>>)
            tpu.yield
          }) : () -> ()
        } else {
        }
        %jit3A_549 = arith.constant 8 : i32
        %eq3A_550 = arith.constant 0 : i32
        %eq3A_551 = arith.cmpi eq, %jit3A_549, %eq3A_550 : i32
        %jit3A_552 = arith.constant 1 : i32
        %select_n3A_553 = arith.select %eq3A_551, %jit3A_552, %jit3A_549 : i32
        %rem3A_554 = arith.remsi %add3A_527, %select_n3A_553 : i32
        %ne3A_555 = arith.constant 0 : i32
        %ne3A_556 = arith.cmpi ne, %rem3A_554, %ne3A_555 : i32
        %lt3A_557 = arith.constant 0 : i32
        %lt3A_558 = arith.cmpi slt, %rem3A_554, %lt3A_557 : i32
        %lt3A_559 = arith.constant 0 : i32
        %lt3A_560 = arith.cmpi slt, %select_n3A_553, %lt3A_559 : i32
        %ne3A_561 = arith.xori %lt3A_558, %lt3A_560 : i1
        %and3A_562 = arith.andi %ne3A_561, %ne3A_556 : i1
        %add3A_563 = arith.addi %rem3A_554, %select_n3A_553 : i32
        %select_n3A_564 = arith.select %and3A_562, %add3A_563, %rem3A_554 : i32
        %get3A_565 = arith.index_cast %select_n3A_564 : i32 to index
        %get3A_566 = arith.constant 0 : index
        %get3A_567 = tpu.vector_load %arg6[%get3A_565, %get3A_566] {strides = array<i32>} : memref<8x128xi32, #tpu.memory_space<vmem>>, vector<16xi32>,
        %swap3A_568 = arith.constant 0 : index
        %swap3A_569 = tpu.vector_load %arg8[%swap3A_568] {strides = array<i32>} : memref<128xi32, #tpu.memory_space<vmem>>, vector<16xi32>,
        tpu.vector_store %arg8[%swap3A_568], %get3A_567 {strides = array<i32>} : memref<128xi32, #tpu.memory_space<vmem>>, vector<16xi32>,
        %get3A_570 = arith.index_cast %select_n3A_564 : i32 to index
        %get3A_571 = arith.constant 16 : index
        %get3A_572 = tpu.vector_load %arg6[%get3A_570, %get3A_571] {strides = array<i32>} : memref<8x128xi32, #tpu.memory_space<vmem>>, vector<16xi32>,
        %swap3A_573 = arith.constant 16 : index
        %swap3A_574 = tpu.vector_load %arg8[%swap3A_573] {strides = array<i32>} : memref<128xi32, #tpu.memory_space<vmem>>, vector<16xi32>,
        tpu.vector_store %arg8[%swap3A_573], %get3A_572 {strides = array<i32>} : memref<128xi32, #tpu.memory_space<vmem>>, vector<16xi32>,
        %get3A_575 = arith.index_cast %select_n3A_564 : i32 to index
        %get3A_576 = arith.constant 32 : index
        %get3A_577 = tpu.vector_load %arg6[%get3A_575, %get3A_576] {strides = array<i32>} : memref<8x128xi32, #tpu.memory_space<vmem>>, vector<16xi32>,
        %swap3A_578 = arith.constant 32 : index
        %swap3A_579 = tpu.vector_load %arg8[%swap3A_578] {strides = array<i32>} : memref<128xi32, #tpu.memory_space<vmem>>, vector<16xi32>,
        tpu.vector_store %arg8[%swap3A_578], %get3A_577 {strides = array<i32>} : memref<128xi32, #tpu.memory_space<vmem>>, vector<16xi32>,
        %get3A_580 = arith.index_cast %select_n3A_564 : i32 to index
        %get3A_581 = arith.constant 48 : index
        %get3A_582 = tpu.vector_load %arg6[%get3A_580, %get3A_581] {strides = array<i32>} : memref<8x128xi32, #tpu.memory_space<vmem>>, vector<16xi32>,
        %swap3A_583 = arith.constant 48 : index
        %swap3A_584 = tpu.vector_load %arg8[%swap3A_583] {strides = array<i32>} : memref<128xi32, #tpu.memory_space<vmem>>, vector<16xi32>,
        tpu.vector_store %arg8[%swap3A_583], %get3A_582 {strides = array<i32>} : memref<128xi32, #tpu.memory_space<vmem>>, vector<16xi32>,
        %get3A_585 = arith.index_cast %select_n3A_564 : i32 to index
        %get3A_586 = arith.constant 64 : index
        %get3A_587 = tpu.vector_load %arg6[%get3A_585, %get3A_586] {strides = array<i32>} : memref<8x128xi32, #tpu.memory_space<vmem>>, vector<16xi32>,
        %swap3A_588 = arith.constant 64 : index
        %swap3A_589 = tpu.vector_load %arg8[%swap3A_588] {strides = array<i32>} : memref<128xi32, #tpu.memory_space<vmem>>, vector<16xi32>,
        tpu.vector_store %arg8[%swap3A_588], %get3A_587 {strides = array<i32>} : memref<128xi32, #tpu.memory_space<vmem>>, vector<16xi32>,
        %get3A_590 = arith.index_cast %select_n3A_564 : i32 to index
        %get3A_591 = arith.constant 80 : index
        %get3A_592 = tpu.vector_load %arg6[%get3A_590, %get3A_591] {strides = array<i32>} : memref<8x128xi32, #tpu.memory_space<vmem>>, vector<16xi32>,
        %swap3A_593 = arith.constant 80 : index
        %swap3A_594 = tpu.vector_load %arg8[%swap3A_593] {strides = array<i32>} : memref<128xi32, #tpu.memory_space<vmem>>, vector<16xi32>,
        tpu.vector_store %arg8[%swap3A_593], %get3A_592 {strides = array<i32>} : memref<128xi32, #tpu.memory_space<vmem>>, vector<16xi32>,
        %get3A_595 = arith.index_cast %select_n3A_564 : i32 to index
        %get3A_596 = arith.constant 96 : index
        %get3A_597 = tpu.vector_load %arg6[%get3A_595, %get3A_596] {strides = array<i32>} : memref<8x128xi32, #tpu.memory_space<vmem>>, vector<16xi32>,
        %swap3A_598 = arith.constant 96 : index
        %swap3A_599 = tpu.vector_load %arg8[%swap3A_598] {strides = array<i32>} : memref<128xi32, #tpu.memory_space<vmem>>, vector<16xi32>,
        tpu.vector_store %arg8[%swap3A_598], %get3A_597 {strides = array<i32>} : memref<128xi32, #tpu.memory_space<vmem>>, vector<16xi32>,
        %get3A_600 = arith.index_cast %select_n3A_564 : i32 to index
        %get3A_601 = arith.constant 112 : index
        %get3A_602 = tpu.vector_load %arg6[%get3A_600, %get3A_601] {strides = array<i32>} : memref<8x128xi32, #tpu.memory_space<vmem>>, vector<16xi32>,
        %swap3A_603 = arith.constant 112 : index
        %swap3A_604 = tpu.vector_load %arg8[%swap3A_603] {strides = array<i32>} : memref<128xi32, #tpu.memory_space<vmem>>, vector<16xi32>,
        tpu.vector_store %arg8[%swap3A_603], %get3A_602 {strides = array<i32>} : memref<128xi32, #tpu.memory_space<vmem>>, vector<16xi32>,
        %dma_start3A_605 = arith.constant 0 : i32
        %dma_start3A_606 = arith.constant 0 : i32
        %dma_start3A_607 = tpu.memref_slice %arg3[%dma_start3A_605, %dma_start3A_606] : memref<1000000x128xf32, #tpu.memory_space<hbm>> -> memref<1000000x128xf32, #tpu.memory_space<hbm>>
        tpu.enqueue_indirect_dma source(%dma_start3A_607 : memref<1000000x128xf32, #tpu.memory_space<hbm>>) target(%arg10 : memref<128x128xf32, #tpu.memory_space<vmem>>) offsets(%arg8 : memref<128xi32, #tpu.memory_space<vmem>>) semaphore(%arg15 : memref<!tpu.dma_semaphore, #tpu.memory_space<semaphore_mem>>)
      } else {
      }
      %scan3A_525 = arith.constant 0 : i32
      scf.yield %scan3A_525 : i32
    }
    %scan3A_143 = arith.constant 100 : i32
    %add3A_144 = arith.constant 24 : i32
    %add3A_145 = arith.addi %mul3A_2, %add3A_144 : i32
    %jit3A_146 = arith.constant 32 : i32
    %div3A_147 = arith.divsi %add3A_145, %jit3A_146 : i32
    %sign3A_148 = arith.constant 0 : i32
    %sign3A_149 = arith.cmpi sgt, %add3A_145, %sign3A_148 : i32
    %sign3A_150 = arith.extui %sign3A_149 : i1 to i32
    %sign3A_151 = arith.constant 0 : i32
    %sign3A_152 = arith.cmpi slt, %add3A_145, %sign3A_151 : i32
    %sign3A_153 = arith.extui %sign3A_152 : i1 to i32
    %sign3A_154 = arith.subi %sign3A_150, %sign3A_153 : i32
    %sign3A_155 = arith.constant 0 : i32
    %sign3A_156 = arith.cmpi sgt, %jit3A_146, %sign3A_155 : i32
    %sign3A_157 = arith.extui %sign3A_156 : i1 to i32
    %sign3A_158 = arith.constant 0 : i32
    %sign3A_159 = arith.cmpi slt, %jit3A_146, %sign3A_158 : i32
    %sign3A_160 = arith.extui %sign3A_159 : i1 to i32
    %sign3A_161 = arith.subi %sign3A_157, %sign3A_160 : i32
    %ne3A_162 = arith.cmpi ne, %sign3A_154, %sign3A_161 : i32
    %rem3A_163 = arith.remsi %add3A_145, %jit3A_146 : i32
    %ne3A_164 = arith.constant 0 : i32
    %ne3A_165 = arith.cmpi ne, %rem3A_163, %ne3A_164 : i32
    %and3A_166 = arith.andi %ne3A_162, %ne3A_165 : i1
    %sub3A_167 = arith.constant 1 : i32
    %sub3A_168 = arith.subi %div3A_147, %sub3A_167 : i32
    %select_n3A_169 = arith.select %and3A_166, %sub3A_168, %div3A_147 : i32
    %jit3A_170 = arith.constant 32 : i32
    %eq3A_171 = arith.constant 0 : i32
    %eq3A_172 = arith.cmpi eq, %jit3A_170, %eq3A_171 : i32
    %jit3A_173 = arith.constant 1 : i32
    %select_n3A_174 = arith.select %eq3A_172, %jit3A_173, %jit3A_170 : i32
    %rem3A_175 = arith.remsi %add3A_145, %select_n3A_174 : i32
    %ne3A_176 = arith.constant 0 : i32
    %ne3A_177 = arith.cmpi ne, %rem3A_175, %ne3A_176 : i32
    %lt3A_178 = arith.constant 0 : i32
    %lt3A_179 = arith.cmpi slt, %rem3A_175, %lt3A_178 : i32
    %lt3A_180 = arith.constant 0 : i32
    %lt3A_181 = arith.cmpi slt, %select_n3A_174, %lt3A_180 : i32
    %ne3A_182 = arith.xori %lt3A_179, %lt3A_181 : i1
    %and3A_183 = arith.andi %ne3A_182, %ne3A_177 : i1
    %add3A_184 = arith.addi %rem3A_175, %select_n3A_174 : i32
    %select_n3A_185 = arith.select %and3A_183, %add3A_184, %rem3A_175 : i32
    %mul3A_186 = arith.constant 8 : i32
    %mul3A_187 = arith.muli %select_n3A_169, %mul3A_186 : i32
    %add3A_188 = arith.constant 6 : i32
    %add3A_189 = arith.addi %mul3A_187, %add3A_188 : i32
    %mul3A_190 = arith.constant 128 : i32
    %mul3A_191 = arith.muli %select_n3A_185, %mul3A_190 : i32
    %dma_wait3A = arith.constant 0 : i32
    %dma_wait3A_192 = tpu.memref_slice %arg5[%add3A_189, %mul3A_191, %dma_wait3A] : memref<200x4096x64xf32, #tpu.memory_space<hbm>> -> memref<1x128x64xf32, #tpu.memory_space<hbm>>
    %dma_wait3A_193 = tpu.memref_squeeze %dma_wait3A_192 : memref<1x128x64xf32, #tpu.memory_space<hbm>> -> memref<128x64xf32, #tpu.memory_space<hbm>>
    %dma_wait3A_194 = arith.constant 0 : i32
    %dma_wait3A_195 = tpu.memref_slice %arg5[%add3A_189, %mul3A_191, %dma_wait3A_194] : memref<200x4096x64xf32, #tpu.memory_space<hbm>> -> memref<1x128x64xf32, #tpu.memory_space<hbm>>
    %dma_wait3A_196 = tpu.memref_squeeze %dma_wait3A_195 : memref<1x128x64xf32, #tpu.memory_space<hbm>> -> memref<128x64xf32, #tpu.memory_space<hbm>>
    tpu.wait_dma2 semaphore(%arg16 : memref<!tpu.dma_semaphore, #tpu.memory_space<semaphore_mem>>) src(%arg11 : memref<128x64xf32, #tpu.memory_space<vmem>>) dst(%dma_wait3A_196 : memref<128x64xf32, #tpu.memory_space<hbm>>)
    %add3A_197 = arith.constant 24 : i32
    %add3A_198 = arith.addi %mul3A_2, %add3A_197 : i32
    %jit3A_199 = arith.constant 32 : i32
    %div3A_200 = arith.divsi %add3A_198, %jit3A_199 : i32
    %sign3A_201 = arith.constant 0 : i32
    %sign3A_202 = arith.cmpi sgt, %add3A_198, %sign3A_201 : i32
    %sign3A_203 = arith.extui %sign3A_202 : i1 to i32
    %sign3A_204 = arith.constant 0 : i32
    %sign3A_205 = arith.cmpi slt, %add3A_198, %sign3A_204 : i32
    %sign3A_206 = arith.extui %sign3A_205 : i1 to i32
    %sign3A_207 = arith.subi %sign3A_203, %sign3A_206 : i32
    %sign3A_208 = arith.constant 0 : i32
    %sign3A_209 = arith.cmpi sgt, %jit3A_199, %sign3A_208 : i32
    %sign3A_210 = arith.extui %sign3A_209 : i1 to i32
    %sign3A_211 = arith.constant 0 : i32
    %sign3A_212 = arith.cmpi slt, %jit3A_199, %sign3A_211 : i32
    %sign3A_213 = arith.extui %sign3A_212 : i1 to i32
    %sign3A_214 = arith.subi %sign3A_210, %sign3A_213 : i32
    %ne3A_215 = arith.cmpi ne, %sign3A_207, %sign3A_214 : i32
    %rem3A_216 = arith.remsi %add3A_198, %jit3A_199 : i32
    %ne3A_217 = arith.constant 0 : i32
    %ne3A_218 = arith.cmpi ne, %rem3A_216, %ne3A_217 : i32
    %and3A_219 = arith.andi %ne3A_215, %ne3A_218 : i1
    %sub3A_220 = arith.constant 1 : i32
    %sub3A_221 = arith.subi %div3A_200, %sub3A_220 : i32
    %select_n3A_222 = arith.select %and3A_219, %sub3A_221, %div3A_200 : i32
    %jit3A_223 = arith.constant 32 : i32
    %eq3A_224 = arith.constant 0 : i32
    %eq3A_225 = arith.cmpi eq, %jit3A_223, %eq3A_224 : i32
    %jit3A_226 = arith.constant 1 : i32
    %select_n3A_227 = arith.select %eq3A_225, %jit3A_226, %jit3A_223 : i32
    %rem3A_228 = arith.remsi %add3A_198, %select_n3A_227 : i32
    %ne3A_229 = arith.constant 0 : i32
    %ne3A_230 = arith.cmpi ne, %rem3A_228, %ne3A_229 : i32
    %lt3A_231 = arith.constant 0 : i32
    %lt3A_232 = arith.cmpi slt, %rem3A_228, %lt3A_231 : i32
    %lt3A_233 = arith.constant 0 : i32
    %lt3A_234 = arith.cmpi slt, %select_n3A_227, %lt3A_233 : i32
    %ne3A_235 = arith.xori %lt3A_232, %lt3A_234 : i1
    %and3A_236 = arith.andi %ne3A_235, %ne3A_230 : i1
    %add3A_237 = arith.addi %rem3A_228, %select_n3A_227 : i32
    %select_n3A_238 = arith.select %and3A_236, %add3A_237, %rem3A_228 : i32
    %mul3A_239 = arith.constant 8 : i32
    %mul3A_240 = arith.muli %select_n3A_222, %mul3A_239 : i32
    %add3A_241 = arith.constant 7 : i32
    %add3A_242 = arith.addi %mul3A_240, %add3A_241 : i32
    %mul3A_243 = arith.constant 128 : i32
    %mul3A_244 = arith.muli %select_n3A_238, %mul3A_243 : i32
    %dma_wait3A_245 = arith.constant 0 : i32
    %dma_wait3A_246 = tpu.memref_slice %arg5[%add3A_242, %mul3A_244, %dma_wait3A_245] : memref<200x4096x64xf32, #tpu.memory_space<hbm>> -> memref<1x128x64xf32, #tpu.memory_space<hbm>>
    %dma_wait3A_247 = tpu.memref_squeeze %dma_wait3A_246 : memref<1x128x64xf32, #tpu.memory_space<hbm>> -> memref<128x64xf32, #tpu.memory_space<hbm>>
    %dma_wait3A_248 = arith.constant 0 : i32
    %dma_wait3A_249 = tpu.memref_slice %arg5[%add3A_242, %mul3A_244, %dma_wait3A_248] : memref<200x4096x64xf32, #tpu.memory_space<hbm>> -> memref<1x128x64xf32, #tpu.memory_space<hbm>>
    %dma_wait3A_250 = tpu.memref_squeeze %dma_wait3A_249 : memref<1x128x64xf32, #tpu.memory_space<hbm>> -> memref<128x64xf32, #tpu.memory_space<hbm>>
    tpu.wait_dma2 semaphore(%arg17 : memref<!tpu.dma_semaphore, #tpu.memory_space<semaphore_mem>>) src(%arg12 : memref<128x64xf32, #tpu.memory_space<vmem>>) dst(%dma_wait3A_250 : memref<128x64xf32, #tpu.memory_space<hbm>>)
    return
  }
}

</mosaic_0001>

<sc_bundles>
// kernel: _embed.3.cloned.1.call-start
scs
__scs_entry_jumppad:
0x0: {  	(pc) =	sbr.rel $0x88, $3  }
0x1: {  	(tag) =	ssettag $0x0;
	lr =	simm.s32 $0x1  }
0x2: {  	[smem:$0x3F9E] =	sst lr;
	_ =	strace $0xD0000000  }
0x3: {  	_ = 	snop  }
0x4: {  	_ = 	snop  }
0x5: {  	_ = 	snop  }
0x6: {  	_ = 	snop  }
0x7: {  	_ = 	snop  }
__scs_overlays_trampoline_lowered:
0x8: {  	[smem:$0x3FAD] =	sst s0  }
0x9: {  	[smem:$0x3FAE] =	sst s1  }
0xa: {  	[smem:$0x3FAF] =	sst s2  }
0xb: {  	[smem:$0x3FB0] =	sst s3  }
0xc: {  	[smem:$0x3FB1] =	sst s4  }
0xd: {  	[smem:$0x3FB2] =	sst s5  }
0xe: {  	[smem:$0x3FB3] =	sst s6  }
0xf: {  	[smem:$0x3FB4] =	sst s7  }
0x10: {  	[smem:$0x3FB5] =	sst s8  }
0x11: {  	[smem:$0x3FB6] =	sst s9;
	s0 =	simm.s32 @!p0 $0x0  }
0x12: {  	s1 =	sld [smem:$0x3F9C];
	s0 =	simm.s32 @p0 $0x1  }
0x13: {  	[smem:$0x3FB7] =	sst s0;
	s0 =	simm.s32 @!p1 $0x0  }
0x14: {  	s2 =	sld [smem:$0x3F9B];
	s0 =	simm.s32 @p1 $0x1  }
0x15: {  	[smem:$0x3FB8] =	sst s0;
	s0 =	simm.s32 @!p2 $0x0  }
0x16: {  	s3 =	sld [smem:$0x3FDB];
	s0 =	simm.s32 @p2 $0x1  }
0x17: {  	s4 =	simm.s32 $0x1BF5;
	[smem:$0x3FBA] =	sst s0  }
0x18: {  	s0 =	sld [smem:$0x3F9D];
	_ =	swait.ge [sflag:s4], $0x0  }
0x19: {  	s7 =	sld [smem:$0x3F9E]  }
0x1a: {  	s8 =	sadd.s32 $0xFFFFE003, lr  }
0x1b: {  	s9 =	sadd.s32 $0xFFFFFEF7, lr;
	s5 =	simm.s32 $0xFFFFFFFF;
	p2 =	slt.u32 s8, $0xFFFFF086  }
0x1c: {  	p1 =	slt.u32 s9, $0xF7A;
	s5 =	simm.s32 @!p2 $0x0  }
0x1d: {  	s5 =	simm.s32 @p1 $0x1;
	p0 =	seq.s32 s7, s2  }
0x1e: {  	s7 =	smul.u32 @!p0 $0xF7A, s2;
	p2 =	seq.s32 @!p0 s5, $0x0  }
0x1f: {  	s9 =	smul.u32 $0xF7A, s1;
	s8 =	simm.s32 @!p0 $0x1BF5;
	p2 =	por !p2, p0  }
0x20: {  	[sflag:s8] =	ssyncset.s32 @!p0 $0xFFFFF086;
	s6 =	sadd.s32 @!p0 s3, s7;
	s7 =	simm.s32 @!p0 $0x108  }
0x21: {  	s3 =	sadd.s32 s3, s9;
	s6 =	sadd.s32 @!p0 $0x88, s6;
	s7 =	simm.s32 @p2 $0x1082  }
0x22: {  	[simem:s7], [sflag:s8] =	dma.local @!p0 [hbm:s6], $0xF7A  }
0x23: {  	s9 =	sor.u32 $0xD0000000, s2;
	s6 =	simm.s32 $0x108;
	_ =	swait.ge @!p0 [sflag:s8], $0x0  }
0x24: {  	s3 =	sadd.s32 $0x88, s3;
	s6 =	simm.s32 @!p1 $0x1082;
	[sflag:s4] =	ssyncset.s32 $0xFFFFF086  }
0x25: {  	[simem:s6], [sflag:s4] =	dma.local [hbm:s3], $0xF7A  }
0x26: {  	[smem:$0x3F9E] =	sst s1;
	(tag) =	ssettag s2;
	_ =	strace s9  }
0x27: {  	s1 =	sld [smem:$0x3FAE]  }
0x28: {  	s2 =	sld [smem:$0x3FAF]  }
0x29: {  	s4 =	sld [smem:$0x3FB1]  }
0x2a: {  	p0 =	seq.s32 s5, $0x0;
	s5 =	sld [smem:$0x3FB2]  }
0x2b: {  	s6 =	sld [smem:$0x3FB3]  }
0x2c: {  	s7 =	sld [smem:$0x3FB4]  }
0x2d: {  	s3 =	simm.s32 $0x108;
	s8 =	sld [smem:$0x3FB5]  }
0x2e: {  	s3 =	simm.s32 @!p0 $0x1082;
	s9 =	sld [smem:$0x3FB6]  }
0x2f: {  	lr =	sadd.s32 s0, s3;
	s0 =	sld [smem:$0x3FAD]  }
0x30: {  	s3 =	sld [smem:$0x3FB0]  }
0x31: {  	[smem:$0x3FB9] =	sst s10  }
0x32: {  	s10 =	sld [smem:$0x3FB7];
	_ =	sdelay $0x3  }
0x33: {  	p0 =	seq.s32 s10, $0x1;
	s10 =	sld [smem:$0x3FB9];
	_ =	sdelay $0x3  }
0x34: {  	[smem:$0x3FB9] =	sst s10  }
0x35: {  	s10 =	sld [smem:$0x3FB8];
	_ =	sdelay $0x3  }
0x36: {  	p1 =	seq.s32 s10, $0x1;
	s10 =	sld [smem:$0x3FB9];
	_ =	sdelay $0x3  }
0x37: {  	[smem:$0x3FB9] =	sst s10  }
0x38: {  	s10 =	sld [smem:$0x3FBA]  }
0x39: {  	_ = 	snop;
	(pc) =	sbr.ind lr, $3  }
0x3a: {  	_ = 	snop  }
0x3b: {  	_ = 	snop  }
0x3c: {  	p2 =	seq.s32 s10, $0x1;
	s10 =	sld [smem:$0x3FB9]  }
0x3d: {  	_ =	shalt  }
0x3e: {  	_ =	shalt  }
0x3f: {  	_ =	shalt  }
0x40: {  	_ =	shalt  }
0x41: {  	_ =	shalt  }
0x42: {  	_ =	shalt  }
0x43: {  	_ =	shalt  }
0x44: {  	_ =	shalt  }
0x45: {  	_ =	shalt  }
0x46: {  	_ =	shalt  }
0x47: {  	_ =	shalt  }
0x48: {  	_ =	shalt  }
0x49: {  	_ =	shalt  }
0x4a: {  	_ =	shalt  }
0x4b: {  	_ =	shalt  }
0x4c: {  	_ =	shalt  }
0x4d: {  	_ =	shalt  }
0x4e: {  	_ =	shalt  }
0x4f: {  	_ =	shalt  }
0x50: {  	_ =	shalt  }
0x51: {  	_ =	shalt  }
0x52: {  	_ =	shalt  }
0x53: {  	_ =	shalt  }
0x54: {  	_ =	shalt  }
0x55: {  	_ =	shalt  }
0x56: {  	_ =	shalt  }
0x57: {  	_ =	shalt  }
0x58: {  	_ =	shalt  }
0x59: {  	_ =	shalt  }
0x5a: {  	_ =	shalt  }
0x5b: {  	_ =	shalt  }
0x5c: {  	_ =	shalt  }
0x5d: {  	_ =	shalt  }
0x5e: {  	_ =	shalt  }
0x5f: {  	_ =	shalt  }
0x60: {  	_ =	shalt  }
0x61: {  	_ =	shalt  }
0x62: {  	_ =	shalt  }
0x63: {  	_ =	shalt  }
0x64: {  	_ =	shalt  }
0x65: {  	_ =	shalt  }
0x66: {  	_ =	shalt  }
0x67: {  	_ =	shalt  }
0x68: {  	_ =	shalt  }
0x69: {  	_ =	shalt  }
0x6a: {  	_ =	shalt  }
0x6b: {  	_ =	shalt  }
0x6c: {  	_ =	shalt  }
0x6d: {  	_ =	shalt  }
0x6e: {  	_ =	shalt  }
0x6f: {  	_ =	shalt  }
0x70: {  	_ =	shalt  }
0x71: {  	_ =	shalt  }
0x72: {  	_ =	shalt  }
0x73: {  	_ =	shalt  }
0x74: {  	_ =	shalt  }
0x75: {  	_ =	shalt  }
0x76: {  	_ =	shalt  }
0x77: {  	_ =	shalt  }
0x78: {  	_ =	shalt  }
0x79: {  	_ =	shalt  }
0x7a: {  	_ =	shalt  }
0x7b: {  	_ =	shalt  }
0x7c: {  	_ =	shalt  }
0x7d: {  	_ =	shalt  }
0x7e: {  	_ =	shalt  }
0x7f: {  	_ =	shalt  }
0x80: {  	_ =	shalt  }
0x81: {  	_ =	shalt  }
0x82: {  	_ =	shalt  }
0x83: {  	_ =	shalt  }
0x84: {  	_ =	shalt  }
0x85: {  	_ =	shalt  }
0x86: {  	_ =	shalt  }
0x87: {  	_ =	shalt  }
.Lfunc_end0:
.L_simem_size_0:
called_computation_lowered:
.L_overlay_start_0:
0x88: {  	s2 =	sld [smem:$0x3FD9]  }
0x89: {  	s3 =	sld [smem:$0x3FFE];
	_ =	sdelay $0x1  }
0x8a: {  	s1 =	srdreg.scid  }
0x8b: {  	s0 =	sand.u32 $0x1, s1  }
0x8c: {  	s17 =	sshll.u32 s0, $0xA;
	s2 =	sadd.s32 s3, s2  }
0x8d: {  	s2 =	sadd.s32 s2, s17  }
0x8e: {  	[smem:$0x3FC5] =	sst s2  }
0x8f: {  	_ = 	snop  }
0x90: {  	s2 =	sld [smem:$0x3FC9]  }
0x91: {  	s18 =	sld [smem:$0x3FC8]  }
0x92: {  	s4 =	sld [smem:$0x3FC7];
	(tm) =	ssettm $0x1  }
0x93: {  	s5 =	sld [smem:$0x3FFB];
	_ =	sdelay $0x3  }
0x94: {  	_ =	strace s5  }
0x95: {  	s5 =	sld [smem:$0x3FFC];
	_ =	sdelay $0x3  }
0x96: {  	_ =	strace s5  }
0x97: {  	s5 =	sld [smem:$0x3FFD];
	_ =	sdelay $0x3  }
0x98: {  	_ =	strace s5  }
0x99: {  	_ =	strace $0x8FFFFFFF  }
0x9a: {  	s19 =	sld [smem:$0x3FDB];
	_ =	sdelay $0x1  }
0x9b: {  	s6 =	simm.s32 $_scs_section_size  }
0x9c: {  	s7 =	simm.s32 $_size__tile_overlayer_lowered;
	s8 =	simm.s32 $_tile_overlayer_lowered  }
0x9d: {  	s22 =	simm.s32 $0x1BFF;
	s21 =	sshll.u32 s8, $0x1;
	s5 =	sadd.s32 s6, s19  }
0x9e: {  	s9 =	simm.s32 $0x0;
	s20 =	sshll.u32 s7, $0x1;
	s7 =	sadd.s32 s21, s5  }
0x9f: {  	[timem:s9], [sflag:s22] =	dma.local [hbm:s7], s20  }
0xa0: {  	_ =	swait.ge [sflag:s22], s20  }
0xa1: {  	s6 =	ssub.s32 $0x0, s20;
	[sflag:s22] =	ssyncset.done $0x0  }
0xa2: {  	[sflag:s22] =	ssyncadd.s32 s6;
	_ =	sdelay $0x1  }
0xa3: {  	s23 =	simm.s32 $0x1B8B  }
0xa4: {  	_ =	swait.ge [sflag:s23], $0x1  }
0xa5: {  	[sflag:s23] =	ssyncset.done $0x0  }
0xa6: {  	s25 =	simm.s32 $0x1B8E;
	s24 =	sld [smem:$0x3FFE];
	[sflag:s23] =	ssyncadd.s32 $0xFFFFFFFF  }
0xa7: {  	s26 =	simm.s32 $execute0_lowered;
	[smem:$0x3FD2] =	sst s25  }
0xa8: {  	s7 =	sshll.u32 s26, $0x1;
	_ =	strace $0x80000046;
	[dreg:$0x1] =	wrdreg $0xFFFFFFFF  }
0xa9: {  	s28 =	simm.s32 $_size_execute0_lowered;
	s5 =	sadd.s32 s5, s7;
	[dreg:$0x0] =	wrdreg $0x0  }
0xaa: {  	s7 =	sshll.u32 s28, $0x1;
	[dreg:$0x2] =	wrdreg s5  }
0xab: {  	[dreg:$0x3] =	wrdreg s7  }
0xac: {  	[dreg:$0x4] =	wrdreg $0xC0  }
0xad: {  	_ =	task [dreg:s9], $0x5FFFF  }
0xae: {  	[dreg:$0x1] =	wrdreg $0xFFFFFFFF  }
0xaf: {  	[dreg:$0x0] =	wrdreg $0x60  }
0xb0: {  	[dreg:$0x2] =	wrdreg s2  }
0xb1: {  	[dreg:$0x3] =	wrdreg s18  }
0xb2: {  	[dreg:$0x4] =	wrdreg s4  }
0xb3: {  	[dreg:$0x5] =	wrdreg s24  }
0xb4: {  	[dreg:$0x6] =	wrdreg $0x9  }
0xb5: {  	_ =	task.clear_ibuf [dreg:s9], $0x7FFFF;
	_ =	strace $0x90000046  }
0xb6: {  	s29 =	simm.s32 $0x9;
	_ =	strace $0x80000048  }
0xb7: {  	_ =	swait.ge [sflag:s29], $0x1  }
0xb8: {  	[sflag:s29] =	ssyncadd.s32 $0xFFFFFFFF  }
0xb9: {  	_ =	strace $0x90000048  }
0xba: {  	_ =	sfence  }
0xbb: {  	s30 =	sld [smem:$0x0];
	_ =	sdelay $0x2  }
0xbc: {  	s31 =	sshll.u32 s1, $0xD;
	s1 =	sshrl.u32 s1, $0x2  }
0xbd: {  	s3 =	sand.u32 $0x4000, s31;
	s1 =	sadd.s32 s1, s30  }
0xbe: {  	s0 =	sor.u32 s3, s0;
	s1 =	sshll.u32 s1, $0x11  }
0xbf: {  	s0 =	sor.u32 s1, s0  }
0xc0: {  	s0 =	sadd.s32 $0x8F2B, s0  }
0xc1: {  	[sflag:s0] =	ssyncadd.remote.s32 $0x1  }
0xc2: {  	_ =	sfence.sel $0xFFFF  }
0xc3: {  	[dreg:$0x0] =	wrdreg $0xFFFFFFFF;
	(pc) =	sbr.abs _section_cstart, $3  }
0xc4: {  	[dreg:$0x1] =	wrdreg $0xFFFFFFFF  }
0xc5: {  	_ =	task.clear_ibuf [dreg:s9], $0x2FFFF;
	_ =	strace $0x9FFFFFFF  }
0xc6: {  	(tm) =	ssettm $0x7FFFFFFF  }
0xc7: {  	_ =	shalt  }
tec
execute0_lowered:
.L_overlay_start_1:
0x0: {  	(tag) =	ssettag $0x1  }
0x1: {  	s1 =	rddreg [dreg:$0x0]  }
0x2: {  	s2 =	rddreg [dreg:$0x1];
	s0 =	srdreg.scid  }
0x3: {  	s4 =	stileid.u32;
	s3 =	rddreg [dreg:$0x3];
	s5 =	simm.s32 $0x0  }
0x4: {  	s11 =	simm.s32 $0x5;
	s12 =	simm.s32 $0x80;
	s15 =	simm.s32 $0x480  }
0x5: {  	s16 =	simm.s32 $0x4500;
	s0 =	sand.u32 $0x1, s0;
	s4 =	sshll.u32 s4, $0x1  }
0x6: {  	s17 =	simm.s32 $0x1;
	s18 =	simm.s32 $0x8500;
	s4 =	sor.u32 s0, s4  }
0x7: {  	s19 =	simm.s32 $0x2;
	s20 =	simm.s32 $0xC500;
	s8 =	smul.u32 $0xC80, s4  }
.Ltmp0:
0x8: {  	s21 =	simm.s32 $0x3;
	s0 =	ssub.s32 $0x2, s0;
	(pc) =	sbr.rel .LBB2_1-.Ltmp0, $4  }
0x9: {  	s22 =	simm.s32 $0x4;
	s23 =	simm.s32 $0x0;
	s30 =	sshrl.u32 s0, $0x1  }
0xa: {  	[smem:$0x7FF] =	sst s5;
	s0 =	ssub.s32 s0, s30;
	s31 =	sadd.s32 s1, s8  }
0xb: {  	_ =	strace $0x80000047;
	s0 =	smax.u32 s0, $0x1;
	[dreg:$0x5] =	wrdreg s31  }
0xc: {  	s6 =	sadd.s32 $0x400, s3;
	s7 =	smul.u32 $0x19, s4;
	[dreg:$0x6] =	wrdreg s0  }
.LBB2_8:
0xd: {  	_ =	swait.ge [sflag:s21], $0x4000  }
0xe: {  	[sflag:s21] =	ssyncset.done $0x0  }
0xf: {  	[sflag:s21] =	ssyncadd.s32 $0xFFFFC000  }
0x10: {  	_ =	swait.ge [sflag:s22], $0x4000  }
0x11: {  	s23 =	sadd.s32 $0x1, s23;
	s0 =	rddreg [dreg:$0x6]  }
0x12: {  	p0 =	sne.s32 s23, s0  }
.Ltmp1:
0x13: {  	_ = 	snop;
	(pc) =	sbr.rel @!p0 .LBB2_9-.Ltmp1, $3  }
0x14: {  	_ =	sdelay $0x1  }
0x15: {  	[sflag:s22] =	ssyncset.done $0x0  }
0x16: {  	[sflag:s22] =	ssyncadd.s32 $0xFFFFC000  }
.LBB2_1:
0x17: {  	s0 =	rddreg [dreg:$0x2];
	s3 =	simm.s32 $0x10500  }
0x18: {  	[tilespmem:s3], [sflag:$0x5] =	stream.linear.gather [hbm4b:s0+s5], $0x3200, $0x38;
	[tilespmem:$0x13700] =	vst v63  }
0x19: {  	_ =	swait.ge [sflag:s11], $0x3200  }
0x1a: {  	[sflag:s11] =	ssyncset.done $0x0  }
0x1b: {  	s29 =	rddreg [dreg:$0x5];
	[sflag:s11] =	ssyncadd.s32 $0xFFFFCE00  }
0x1c: {  	[tilespmem:s5], [sflag:$0x5] =	stream.linear.gather [hbm4b:s29+s5], $0x400, $0x38;
	[tilespmem:$0x13700] =	vst v63  }
0x1d: {  	_ =	swait.ge [sflag:s11], $0x400  }
0x1e: {  	[sflag:s11] =	ssyncset.done $0x0  }
0x1f: {  	[sflag:s11] =	ssyncadd.s32 $0xFFFFFC00  }
0x20: {  	v0 =	vld [tilespmem:$0x0]  }
0x21: {  	v1 =	vld [tilespmem:$0x10]  }
0x22: {  	v2 =	vld [tilespmem:$0x20]  }
0x23: {  	v3 =	vld [tilespmem:$0x30]  }
0x24: {  	v4 =	vld [tilespmem:$0x40]  }
0x25: {  	v53 =	vld [tilespmem:$0x50];
	[tilespmem:$0x400] =	vst v0  }
0x26: {  	v54 =	vld [tilespmem:$0x60];
	[tilespmem:$0x410] =	vst v1  }
0x27: {  	v55 =	vld [tilespmem:$0x70];
	[tilespmem:$0x420] =	vst v2  }
0x28: {  	[tilespmem:$0x430] =	vst v3  }
0x29: {  	[tilespmem:$0x440] =	vst v4  }
0x2a: {  	[tilespmem:$0x450] =	vst v53  }
0x2b: {  	[tilespmem:$0x460] =	vst v54  }
0x2c: {  	s30 =	simm.s32 $0x400;
	s31 =	simm.s32 $0x500;
	[tilespmem:$0x470] =	vst v55  }
0x2d: {  	[tilespmem:s31], [sflag:$0x1] =	stream.indirect.gather [hbm4b:s2+s12], $0x80, s30, s12, $0xb8;
	[tilespmem:$0x13700] =	vst v63  }
0x2e: {  	v56 =	vld [tilespmem:$0x80]  }
0x2f: {  	v57 =	vld [tilespmem:$0x90]  }
0x30: {  	v58 =	vld [tilespmem:$0xA0]  }
0x31: {  	v59 =	vld [tilespmem:$0xB0]  }
0x32: {  	v60 =	vld [tilespmem:$0xC0]  }
0x33: {  	v61 =	vld [tilespmem:$0xD0];
	[tilespmem:$0x480] =	vst v56  }
0x34: {  	v62 =	vld [tilespmem:$0xE0];
	[tilespmem:$0x490] =	vst v57  }
0x35: {  	v63 =	vld [tilespmem:$0xF0];
	[tilespmem:$0x4A0] =	vst v58  }
0x36: {  	[tilespmem:$0x4B0] =	vst v59  }
0x37: {  	[tilespmem:$0x4C0] =	vst v60  }
0x38: {  	[tilespmem:$0x4D0] =	vst v61  }
0x39: {  	[tilespmem:$0x4E0] =	vst v62  }
0x3a: {  	s24 =	simm.s32 $0x0;
	[tilespmem:$0x4F0] =	vst v63  }
0x3b: {  	[tilespmem:s16], [sflag:$0x2] =	stream.indirect.gather [hbm4b:s2+s12], $0x80, s15, s12, $0xb8;
	[tilespmem:$0x13700] =	vst v63  }
.LBB2_2:
0x3c: {  	_ =	swait.ge [sflag:s17], $0x4000  }
0x3d: {  	s0 =	sshrl.u32 s24, $0x2;
	p0 =	seq.s32 s24, $0x0;
	[sflag:s17] =	ssyncset.done $0x0  }
0x3e: {  	s25 =	sadd.s32 s7, s0;
	s0 =	simm.s32 @!p0 $0x3;
	[sflag:s17] =	ssyncadd.s32 $0xFFFFC000  }
0x3f: {  	s28 =	sshll.u32 s24, $0x1;
	s3 =	sshrl.u32 s25, $0x2;
	_ =	swait.ge @!p0 [sflag:s0], $0x4000  }
0x40: {  	s4 =	sand.u32 $0x6, s28;
	s3 =	sand.u32 $0x1FFFFFF8, s3;
	[sflag:s0] =	ssyncset.done @!p0 $0x0  }
0x41: {  	s13 =	simm.s32 $0x580;
	s26 =	sor.u32 s4, s3;
	[sflag:s0] =	ssyncadd.s32 @!p0 $0xFFFFC000  }
0x42: {  	s14 =	sshll.u32 s26, $0x8;
	v0 =	vld [tilespmem:s13+$0x0]  }
0x43: {  	s0 =	sshra.s32 s14, $0x2;
	v4 =	vld [tilespmem:s13+$0xFFFFFF80]  }
0x44: {  	v3 =	vld [tilespmem:s0+$0x10500];
	_ =	sdelay $0x1  }
0x45: {  	s10 =	simm.s32 $0x680  }
0x46: {  	v6 =	vld [tilespmem:s10+$0x0];
	v5 =	vmul.f32 $8.000000000e+00, v0  }
0x47: {  	v7 =	vld [tilespmem:s10+$0xFFFFFF80];
	v4 =	vmul.f32 $8.000000000e+00, v4  }
0x48: {  	v2 =	vld [tilespmem:s0+$0x10510];
	v5 =	vadd.f32 v5, v3  }
0x49: {  	s29 =	simm.s32 $0x8580;
	v1 =	vld [tilespmem:s0+$0x10520];
	v4 =	vadd.f32 v4, v3  }
0x4a: {  	v0 =	vld [tilespmem:s0+$0x10530];
	[tilespmem:s29+$0x0] =	vst v5  }
0x4b: {  	[tilespmem:s29+$0xFFFFFF80] =	vst v4;
	v4 =	vld [tilespmem:s13+$0x10]  }
0x4c: {  	v5 =	vld [tilespmem:s13+$0xFFFFFF90];
	_ =	sdelay $0x1  }
0x4d: {  	v6 =	vmul.f32 $8.000000000e+00, v6  }
0x4e: {  	v7 =	vmul.f32 $8.000000000e+00, v7  }
0x4f: {  	s3 =	simm.s32 $0x780;
	v6 =	vadd.f32 v6, v3;
	v4 =	vmul.f32 $8.000000000e+00, v4  }
0x50: {  	s30 =	simm.s32 $0x8680;
	v8 =	vld [tilespmem:s3+$0x0];
	v7 =	vadd.f32 v7, v3;
	v5 =	vmul.f32 $8.000000000e+00, v5  }
0x51: {  	v9 =	vld [tilespmem:s3+$0xFFFFFF80];
	[tilespmem:s30+$0x0] =	vst v6;
	v4 =	vadd.f32 v4, v2  }
0x52: {  	[tilespmem:s30+$0xFFFFFF80] =	vst v7;
	v6 =	vld [tilespmem:s10+$0x10];
	v5 =	vadd.f32 v5, v2  }
0x53: {  	v7 =	vld [tilespmem:s10+$0xFFFFFF90];
	[tilespmem:s29+$0x10] =	vst v4  }
0x54: {  	[tilespmem:s29+$0xFFFFFF90] =	vst v5;
	v4 =	vld [tilespmem:s13+$0x20]  }
0x55: {  	v5 =	vmul.f32 $8.000000000e+00, v8;
	v8 =	vld [tilespmem:s13+$0xFFFFFFA0]  }
0x56: {  	v9 =	vmul.f32 $8.000000000e+00, v9  }
0x57: {  	s0 =	simm.s32 $0x880;
	v6 =	vmul.f32 $8.000000000e+00, v6;
	v5 =	vadd.f32 v5, v3  }
0x58: {  	s31 =	simm.s32 $0x8780;
	v10 =	vld [tilespmem:s0+$0x0];
	v9 =	vadd.f32 v9, v3;
	v7 =	vmul.f32 $8.000000000e+00, v7  }
0x59: {  	v11 =	vld [tilespmem:s0+$0xFFFFFF80];
	[tilespmem:s31+$0x0] =	vst v5;
	v5 =	vadd.f32 v6, v2;
	v4 =	vmul.f32 $8.000000000e+00, v4  }
0x5a: {  	[tilespmem:s31+$0xFFFFFF80] =	vst v9;
	v7 =	vadd.f32 v7, v2;
	v6 =	vld [tilespmem:s3+$0x10];
	v8 =	vmul.f32 $8.000000000e+00, v8  }
0x5b: {  	v9 =	vld [tilespmem:s3+$0xFFFFFF90];
	[tilespmem:s30+$0x10] =	vst v5;
	v4 =	vadd.f32 v4, v1  }
0x5c: {  	[tilespmem:s30+$0xFFFFFF90] =	vst v7;
	v5 =	vld [tilespmem:s10+$0x20];
	v7 =	vadd.f32 v8, v1  }
0x5d: {  	v8 =	vmul.f32 $8.000000000e+00, v10;
	v10 =	vld [tilespmem:s10+$0xFFFFFFA0];
	[tilespmem:s29+$0x20] =	vst v4  }
0x5e: {  	v4 =	vmul.f32 $8.000000000e+00, v11;
	[tilespmem:s29+$0xFFFFFFA0] =	vst v7;
	v7 =	vld [tilespmem:s13+$0x30]  }
0x5f: {  	s4 =	simm.s32 $0x980;
	v8 =	vadd.f32 v8, v3;
	v6 =	vmul.f32 $8.000000000e+00, v6;
	v11 =	vld [tilespmem:s13+$0xFFFFFFB0]  }
0x60: {  	v12 =	vld [tilespmem:s4+$0x0];
	v9 =	vmul.f32 $8.000000000e+00, v9;
	s13 =	simm.s32 $0x8880;
	v4 =	vadd.f32 v4, v3  }
0x61: {  	v13 =	vld [tilespmem:s4+$0xFFFFFF80];
	[tilespmem:s13+$0x0] =	vst v8;
	v6 =	vadd.f32 v6, v2;
	v5 =	vmul.f32 $8.000000000e+00, v5  }
0x62: {  	v14 =	vld [tilespmem:s0+$0x10];
	v8 =	vmul.f32 $8.000000000e+00, v10;
	[tilespmem:s13+$0xFFFFFF80] =	vst v4;
	v4 =	vadd.f32 v9, v2  }
0x63: {  	[tilespmem:s31+$0x10] =	vst v6;
	v5 =	vadd.f32 v5, v1;
	v9 =	vld [tilespmem:s0+$0xFFFFFF90];
	v10 =	vmul.f32 $8.000000000e+00, v7  }
0x64: {  	v6 =	vld [tilespmem:s3+$0x20];
	[tilespmem:s31+$0xFFFFFF90] =	vst v4;
	v4 =	vadd.f32 v8, v1;
	v8 =	vmul.f32 $8.000000000e+00, v11  }
0x65: {  	v12 =	vmul.f32 $8.000000000e+00, v12;
	[tilespmem:s30+$0x20] =	vst v5;
	v7 =	vld [tilespmem:s3+$0xFFFFFFA0];
	v15 =	vadd.f32 v10, v0  }
0x66: {  	v11 =	vmul.f32 $8.000000000e+00, v13;
	[tilespmem:s30+$0xFFFFFFA0] =	vst v4;
	v4 =	vld [tilespmem:s10+$0x30];
	v8 =	vadd.f32 v8, v0  }
0x67: {  	s8 =	simm.s32 $0xA80;
	s14 =	simm.s32 $0x8;
	v12 =	vadd.f32 v12, v3;
	v10 =	vmul.f32 $8.000000000e+00, v14;
	v5 =	vld [tilespmem:s10+$0xFFFFFFB0];
	s10 =	simm.s32 $0x8880;
	[tilespmem:s29+$0x30] =	vst v15  }
.LBB2_3:
0x68: {  	v13 =	vld [tilespmem:s8+$0x0];
	s14 =	sadd.s32 $0x2, s14;
	v11 =	vadd.f32 v11, v3;
	v9 =	vmul.f32 $8.000000000e+00, v9;
	s13 =	sadd.s32 $0x100, s13;
	[tilespmem:s29+$0xFFFFFFB0] =	vst v8;
	s29 =	smov.u32 s30  }
0x69: {  	s30 =	smov.u32 s31;
	s31 =	smov.u32 s10;
	v8 =	vld [tilespmem:s8+$0xFFFFFF80];
	p1 =	slt.u32 s14, $0x7E;
	[tilespmem:s13+$0x0] =	vst v12;
	v10 =	vadd.f32 v10, v2;
	v6 =	vmul.f32 $8.000000000e+00, v6  }
0x6a: {  	s9 =	smov.u32 s4;
	s10 =	smov.u32 s13;
	[tilespmem:s13+$0xFFFFFF80] =	vst v11;
	v14 =	vld [tilespmem:s4+$0x10];
	v11 =	vadd.f32 v9, v2;
	v7 =	vmul.f32 $8.000000000e+00, v7;
	s4 =	smov.u32 s8  }
.Ltmp2:
0x6b: {  	v9 =	vld [tilespmem:s9+$0xFFFFFF90];
	[tilespmem:s31+$0x10] =	vst v10;
	v10 =	vadd.f32 v6, v1;
	v4 =	vmul.f32 $8.000000000e+00, v4;
	(pc) =	sbr.rel @p1 .LBB2_3-.Ltmp2, $4  }
0x6c: {  	[tilespmem:s31+$0xFFFFFF90] =	vst v11;
	v6 =	vld [tilespmem:s0+$0x20];
	v12 =	vadd.f32 v7, v1;
	v5 =	vmul.f32 $8.000000000e+00, v5  }
0x6d: {  	v13 =	vmul.f32 $8.000000000e+00, v13;
	v7 =	vld [tilespmem:s0+$0xFFFFFFA0];
	[tilespmem:s30+$0x20] =	vst v10;
	v15 =	vadd.f32 v4, v0  }
0x6e: {  	v11 =	vmul.f32 $8.000000000e+00, v8;
	[tilespmem:s30+$0xFFFFFFA0] =	vst v12;
	v4 =	vld [tilespmem:s3+$0x30];
	v8 =	vadd.f32 v5, v0  }
0x6f: {  	s8 =	sadd.s32 $0x100, s8;
	v12 =	vadd.f32 v13, v3;
	v10 =	vmul.f32 $8.000000000e+00, v14;
	v5 =	vld [tilespmem:s3+$0xFFFFFFB0];
	[tilespmem:s29+$0x30] =	vst v15;
	s3 =	smov.u32 s0;
	s0 =	smov.u32 s9  }
0x70: {  	v3 =	vadd.f32 v11, v3;
	s13 =	sadd.s32 $0x100, s13  }
0x71: {  	[tilespmem:s13+$0x0] =	vst v12  }
0x72: {  	[tilespmem:s13+$0xFFFFFF80] =	vst v3;
	v3 =	vld [tilespmem:s4+$0x10]  }
0x73: {  	v11 =	vld [tilespmem:s4+$0xFFFFFF90];
	_ =	sdelay $0x2  }
0x74: {  	v9 =	vmul.f32 $8.000000000e+00, v9  }
0x75: {  	v10 =	vadd.f32 v10, v2;
	v3 =	vmul.f32 $8.000000000e+00, v3  }
0x76: {  	v9 =	vadd.f32 v9, v2;
	v11 =	vmul.f32 $8.000000000e+00, v11  }
0x77: {  	[tilespmem:s10+$0x10] =	vst v10;
	v3 =	vadd.f32 v3, v2  }
0x78: {  	[tilespmem:s10+$0xFFFFFF90] =	vst v9;
	v9 =	vld [tilespmem:s0+$0x20];
	v2 =	vadd.f32 v11, v2  }
0x79: {  	v10 =	vld [tilespmem:s0+$0xFFFFFFA0];
	[tilespmem:s13+$0x10] =	vst v3  }
0x7a: {  	[tilespmem:s13+$0xFFFFFF90] =	vst v2;
	v2 =	vld [tilespmem:s4+$0x20]  }
0x7b: {  	v3 =	vmul.f32 $8.000000000e+00, v6;
	v6 =	vld [tilespmem:s4+$0xFFFFFFA0]  }
0x7c: {  	v7 =	vmul.f32 $8.000000000e+00, v7  }
0x7d: {  	v9 =	vmul.f32 $8.000000000e+00, v9;
	v3 =	vadd.f32 v3, v1  }
0x7e: {  	v7 =	vadd.f32 v7, v1;
	v10 =	vmul.f32 $8.000000000e+00, v10  }
0x7f: {  	[tilespmem:s31+$0x20] =	vst v3;
	v3 =	vadd.f32 v9, v1;
	v2 =	vmul.f32 $8.000000000e+00, v2  }
0x80: {  	[tilespmem:s31+$0xFFFFFFA0] =	vst v7;
	v9 =	vadd.f32 v10, v1;
	v7 =	vld [tilespmem:s3+$0x30];
	v6 =	vmul.f32 $8.000000000e+00, v6  }
0x81: {  	v10 =	vld [tilespmem:s3+$0xFFFFFFB0];
	[tilespmem:s10+$0x20] =	vst v3;
	v2 =	vadd.f32 v2, v1  }
0x82: {  	[tilespmem:s10+$0xFFFFFFA0] =	vst v9;
	v3 =	vld [tilespmem:s0+$0x30];
	v1 =	vadd.f32 v6, v1  }
0x83: {  	v4 =	vmul.f32 $8.000000000e+00, v4;
	v6 =	vld [tilespmem:s0+$0xFFFFFFB0];
	[tilespmem:s13+$0x20] =	vst v2  }
0x84: {  	v2 =	vmul.f32 $8.000000000e+00, v5;
	[tilespmem:s13+$0xFFFFFFA0] =	vst v1;
	v1 =	vld [tilespmem:s4+$0x30]  }
0x85: {  	v4 =	vadd.f32 v4, v0;
	v5 =	vmul.f32 $8.000000000e+00, v7;
	v7 =	vld [tilespmem:s4+$0xFFFFFFB0]  }
0x86: {  	[tilespmem:s29+$0xFFFFFFB0] =	vst v8;
	v8 =	vmul.f32 $8.000000000e+00, v10;
	v2 =	vadd.f32 v2, v0  }
0x87: {  	[tilespmem:s30+$0x30] =	vst v4;
	v4 =	vadd.f32 v5, v0;
	v3 =	vmul.f32 $8.000000000e+00, v3  }
0x88: {  	[tilespmem:s30+$0xFFFFFFB0] =	vst v2;
	v2 =	vadd.f32 v8, v0;
	v5 =	vmul.f32 $8.000000000e+00, v6  }
0x89: {  	[tilespmem:s31+$0x30] =	vst v4;
	v3 =	vadd.f32 v3, v0;
	v1 =	vmul.f32 $8.000000000e+00, v1  }
0x8a: {  	s3 =	sshll.u32 s25, $0xE;
	[tilespmem:s31+$0xFFFFFFB0] =	vst v2;
	v2 =	vadd.f32 v5, v0;
	v4 =	vmul.f32 $8.000000000e+00, v7  }
0x8b: {  	s25 =	sand.u32 $0x7C000, s3;
	s4 =	sshll.u32 s26, $0x13;
	[tilespmem:s10+$0x30] =	vst v3;
	v1 =	vadd.f32 v1, v0  }
0x8c: {  	s0 =	sor.u32 s25, s4;
	[tilespmem:s10+$0xFFFFFFB0] =	vst v2;
	v0 =	vadd.f32 v4, v0  }
0x8d: {  	s0 =	sshrl.u32 s0, $0x3;
	[tilespmem:s13+$0x30] =	vst v1  }
0x8e: {  	s0 =	sadd.s32 s6, s0;
	[tilespmem:s13+$0xFFFFFFB0] =	vst v0  }
0x8f: {  	[hbm4b:s0+s5] =	stream.linear.scatter [tilespmem:s18], [sflag:$0x3], $0x4000, $0x38;
	[tilespmem:$0x13700] =	vst v63  }
0x90: {  	p1 =	seq.s32 s24, $0x63;
	s0 =	sadd.s32 $0x2, s28  }
0x91: {  	s3 =	sand.u32 @!p1 $0x6, s0  }
0x92: {  	p2 =	sne.s32 @!p1 s3, $0x0  }
0x93: {  	p2 =	por p2, p1  }
0x94: {  	s0 =	sshrl.u32 @!p2 s0, $0x3  }
0x95: {  	s0 =	sadd.s32 @!p2 s7, s0  }
0x96: {  	s0 =	sshll.u32 @!p2 s0, $0x7  }
0x97: {  	s0 =	sand.u32 @!p2 $0xFFFFF80, s0  }
0x98: {  	s4 =	simm.s32 @!p2 $0x0;
	s0 =	sadd.s32 @!p2 s1, s0  }
0x99: {  	[tilespmem:s4], [sflag:$0x5] =	stream.linear.gather @!p2 [hbm4b:s0+s4], $0x400, $0x38;
	[tilespmem:$0x13700] =	vst v63  }
0x9a: {  	s0 =	simm.s32 @!p2 $0x5  }
0x9b: {  	_ =	swait.ge @!p2 [sflag:s0], $0x400  }
0x9c: {  	[sflag:s0] =	ssyncset.done @!p2 $0x0  }
0x9d: {  	[sflag:s0] =	ssyncadd.s32 @!p2 $0xFFFFFC00;
	s0 =	sshll.u32 @!p1 s3, $0x7  }
0x9e: {  	v0 =	vld @!p1 [tilespmem:s0+$0x0];
	_ =	sdelay $0x4  }
0x9f: {  	[tilespmem:$0x400] =	vst @!p1 v0  }
0xa0: {  	v0 =	vld @!p1 [tilespmem:s0+$0x10];
	_ =	sdelay $0x4  }
0xa1: {  	[tilespmem:$0x410] =	vst @!p1 v0  }
0xa2: {  	v0 =	vld @!p1 [tilespmem:s0+$0x20];
	_ =	sdelay $0x4  }
0xa3: {  	[tilespmem:$0x420] =	vst @!p1 v0  }
0xa4: {  	v0 =	vld @!p1 [tilespmem:s0+$0x30];
	_ =	sdelay $0x4  }
0xa5: {  	[tilespmem:$0x430] =	vst @!p1 v0  }
0xa6: {  	v0 =	vld @!p1 [tilespmem:s0+$0x40];
	_ =	sdelay $0x4  }
0xa7: {  	[tilespmem:$0x440] =	vst @!p1 v0  }
0xa8: {  	v0 =	vld @!p1 [tilespmem:s0+$0x50];
	_ =	sdelay $0x4  }
0xa9: {  	[tilespmem:$0x450] =	vst @!p1 v0  }
0xaa: {  	v0 =	vld @!p1 [tilespmem:s0+$0x60];
	_ =	sdelay $0x4  }
0xab: {  	[tilespmem:$0x460] =	vst @!p1 v0  }
0xac: {  	v0 =	vld @!p1 [tilespmem:s0+$0x70];
	_ =	sdelay $0x4  }
0xad: {  	s4 =	simm.s32 @!p1 $0x500;
	s3 =	simm.s32 @!p1 $0x400;
	s0 =	simm.s32 @!p1 $0x80;
	[tilespmem:$0x470] =	vst @!p1 v0  }
0xae: {  	[tilespmem:s4], [sflag:$0x1] =	stream.indirect.gather @!p1 [hbm4b:s2+s0], $0x80, s3, s0, $0xb8;
	[tilespmem:$0x13700] =	vst v63  }
0xaf: {  	_ =	swait.ge [sflag:s19], $0x4000  }
0xb0: {  	[sflag:s19] =	ssyncset.done $0x0  }
0xb1: {  	s0 =	simm.s32 @!p0 $0x4;
	[sflag:s19] =	ssyncadd.s32 $0xFFFFC000  }
0xb2: {  	_ =	swait.ge @!p0 [sflag:s0], $0x4000  }
0xb3: {  	[sflag:s0] =	ssyncset.done @!p0 $0x0  }
0xb4: {  	s8 =	simm.s32 $0x4580;
	[sflag:s0] =	ssyncadd.s32 @!p0 $0xFFFFC000  }
0xb5: {  	s26 =	sor.u32 $0x1, s26;
	v0 =	vld [tilespmem:s8+$0x0]  }
0xb6: {  	s9 =	sshll.u32 s26, $0x6;
	v4 =	vld [tilespmem:s8+$0xFFFFFF80]  }
0xb7: {  	v3 =	vld [tilespmem:s9+$0x10500];
	_ =	sdelay $0x1  }
0xb8: {  	s10 =	sor.u32 $0x50, s9  }
0xb9: {  	s14 =	sor.u32 $0x60, s9;
	v2 =	vld [tilespmem:s10+$0x10500];
	v5 =	vmul.f32 $8.000000000e+00, v0  }
0xba: {  	s31 =	simm.s32 $0x4680;
	v1 =	vld [tilespmem:s14+$0x10500];
	v4 =	vmul.f32 $8.000000000e+00, v4  }
0xbb: {  	v6 =	vld [tilespmem:s31+$0x0];
	v5 =	vadd.f32 v5, v3  }
0xbc: {  	s28 =	simm.s32 $0xC580;
	s0 =	sor.u32 $0x70, s9;
	v7 =	vld [tilespmem:s31+$0xFFFFFF80];
	v4 =	vadd.f32 v4, v3  }
0xbd: {  	v0 =	vld [tilespmem:s0+$0x10500];
	[tilespmem:s28+$0x0] =	vst v5  }
0xbe: {  	[tilespmem:s28+$0xFFFFFF80] =	vst v4;
	v4 =	vld [tilespmem:s8+$0x10]  }
0xbf: {  	v5 =	vld [tilespmem:s8+$0xFFFFFF90];
	_ =	sdelay $0x1  }
0xc0: {  	v6 =	vmul.f32 $8.000000000e+00, v6  }
0xc1: {  	v7 =	vmul.f32 $8.000000000e+00, v7  }
0xc2: {  	s3 =	simm.s32 $0x4780;
	v6 =	vadd.f32 v6, v3;
	v4 =	vmul.f32 $8.000000000e+00, v4  }
0xc3: {  	s29 =	simm.s32 $0xC680;
	v8 =	vld [tilespmem:s3+$0x0];
	v7 =	vadd.f32 v7, v3;
	v5 =	vmul.f32 $8.000000000e+00, v5  }
0xc4: {  	v9 =	vld [tilespmem:s3+$0xFFFFFF80];
	[tilespmem:s29+$0x0] =	vst v6;
	v4 =	vadd.f32 v4, v2  }
0xc5: {  	[tilespmem:s29+$0xFFFFFF80] =	vst v7;
	v6 =	vld [tilespmem:s31+$0x10];
	v5 =	vadd.f32 v5, v2  }
0xc6: {  	v7 =	vld [tilespmem:s31+$0xFFFFFF90];
	[tilespmem:s28+$0x10] =	vst v4  }
0xc7: {  	[tilespmem:s28+$0xFFFFFF90] =	vst v5;
	v4 =	vld [tilespmem:s8+$0x20]  }
0xc8: {  	v5 =	vmul.f32 $8.000000000e+00, v8;
	v8 =	vld [tilespmem:s8+$0xFFFFFFA0]  }
0xc9: {  	v9 =	vmul.f32 $8.000000000e+00, v9  }
0xca: {  	s0 =	simm.s32 $0x4880;
	v6 =	vmul.f32 $8.000000000e+00, v6;
	v5 =	vadd.f32 v5, v3  }
0xcb: {  	s30 =	simm.s32 $0xC780;
	v10 =	vld [tilespmem:s0+$0x0];
	v9 =	vadd.f32 v9, v3;
	v7 =	vmul.f32 $8.000000000e+00, v7  }
0xcc: {  	v11 =	vld [tilespmem:s0+$0xFFFFFF80];
	[tilespmem:s30+$0x0] =	vst v5;
	v5 =	vadd.f32 v6, v2;
	v4 =	vmul.f32 $8.000000000e+00, v4  }
0xcd: {  	[tilespmem:s30+$0xFFFFFF80] =	vst v9;
	v7 =	vadd.f32 v7, v2;
	v6 =	vld [tilespmem:s3+$0x10];
	v8 =	vmul.f32 $8.000000000e+00, v8  }
0xce: {  	v9 =	vld [tilespmem:s3+$0xFFFFFF90];
	[tilespmem:s29+$0x10] =	vst v5;
	v4 =	vadd.f32 v4, v1  }
0xcf: {  	[tilespmem:s29+$0xFFFFFF90] =	vst v7;
	v5 =	vld [tilespmem:s31+$0x20];
	v7 =	vadd.f32 v8, v1  }
0xd0: {  	v8 =	vmul.f32 $8.000000000e+00, v10;
	v10 =	vld [tilespmem:s31+$0xFFFFFFA0];
	[tilespmem:s28+$0x20] =	vst v4  }
0xd1: {  	v4 =	vmul.f32 $8.000000000e+00, v11;
	[tilespmem:s28+$0xFFFFFFA0] =	vst v7;
	v7 =	vld [tilespmem:s8+$0x30]  }
0xd2: {  	s4 =	simm.s32 $0x4980;
	v8 =	vadd.f32 v8, v3;
	v6 =	vmul.f32 $8.000000000e+00, v6;
	v11 =	vld [tilespmem:s8+$0xFFFFFFB0]  }
0xd3: {  	s13 =	simm.s32 $0xC880;
	v12 =	vld [tilespmem:s4+$0x0];
	v9 =	vmul.f32 $8.000000000e+00, v9;
	v4 =	vadd.f32 v4, v3  }
0xd4: {  	v13 =	vld [tilespmem:s4+$0xFFFFFF80];
	[tilespmem:s13+$0x0] =	vst v8;
	v6 =	vadd.f32 v6, v2;
	v5 =	vmul.f32 $8.000000000e+00, v5  }
0xd5: {  	v14 =	vld [tilespmem:s0+$0x10];
	v8 =	vmul.f32 $8.000000000e+00, v10;
	[tilespmem:s13+$0xFFFFFF80] =	vst v4;
	v4 =	vadd.f32 v9, v2  }
0xd6: {  	[tilespmem:s30+$0x10] =	vst v6;
	v5 =	vadd.f32 v5, v1;
	v9 =	vld [tilespmem:s0+$0xFFFFFF90];
	v10 =	vmul.f32 $8.000000000e+00, v7  }
0xd7: {  	v6 =	vld [tilespmem:s3+$0x20];
	[tilespmem:s30+$0xFFFFFF90] =	vst v4;
	v4 =	vadd.f32 v8, v1;
	v8 =	vmul.f32 $8.000000000e+00, v11  }
0xd8: {  	v12 =	vmul.f32 $8.000000000e+00, v12;
	[tilespmem:s29+$0x20] =	vst v5;
	v7 =	vld [tilespmem:s3+$0xFFFFFFA0];
	v15 =	vadd.f32 v10, v0  }
0xd9: {  	v11 =	vmul.f32 $8.000000000e+00, v13;
	[tilespmem:s29+$0xFFFFFFA0] =	vst v4;
	v4 =	vld [tilespmem:s31+$0x30];
	v8 =	vadd.f32 v8, v0  }
0xda: {  	s14 =	simm.s32 $0x8;
	s10 =	simm.s32 $0xC880;
	v12 =	vadd.f32 v12, v3;
	s8 =	simm.s32 $0x4A80;
	v10 =	vmul.f32 $8.000000000e+00, v14;
	v5 =	vld [tilespmem:s31+$0xFFFFFFB0];
	[tilespmem:s28+$0x30] =	vst v15  }
.LBB2_5:
0xdb: {  	v13 =	vld [tilespmem:s8+$0x0];
	s14 =	sadd.s32 $0x2, s14;
	v11 =	vadd.f32 v11, v3;
	v9 =	vmul.f32 $8.000000000e+00, v9;
	s13 =	sadd.s32 $0x100, s13;
	[tilespmem:s28+$0xFFFFFFB0] =	vst v8;
	s28 =	smov.u32 s29  }
0xdc: {  	s29 =	smov.u32 s30;
	s30 =	smov.u32 s10;
	v8 =	vld [tilespmem:s8+$0xFFFFFF80];
	p0 =	slt.u32 s14, $0x7E;
	[tilespmem:s13+$0x0] =	vst v12;
	v10 =	vadd.f32 v10, v2;
	v6 =	vmul.f32 $8.000000000e+00, v6  }
0xdd: {  	s9 =	smov.u32 s4;
	s10 =	smov.u32 s13;
	[tilespmem:s13+$0xFFFFFF80] =	vst v11;
	v14 =	vld [tilespmem:s4+$0x10];
	v11 =	vadd.f32 v9, v2;
	v7 =	vmul.f32 $8.000000000e+00, v7;
	s4 =	smov.u32 s8  }
.Ltmp3:
0xde: {  	v9 =	vld [tilespmem:s9+$0xFFFFFF90];
	[tilespmem:s30+$0x10] =	vst v10;
	v10 =	vadd.f32 v6, v1;
	v4 =	vmul.f32 $8.000000000e+00, v4;
	(pc) =	sbr.rel @p0 .LBB2_5-.Ltmp3, $4  }
0xdf: {  	[tilespmem:s30+$0xFFFFFF90] =	vst v11;
	v6 =	vld [tilespmem:s0+$0x20];
	v12 =	vadd.f32 v7, v1;
	v5 =	vmul.f32 $8.000000000e+00, v5  }
0xe0: {  	v13 =	vmul.f32 $8.000000000e+00, v13;
	v7 =	vld [tilespmem:s0+$0xFFFFFFA0];
	[tilespmem:s29+$0x20] =	vst v10;
	v15 =	vadd.f32 v4, v0  }
0xe1: {  	v11 =	vmul.f32 $8.000000000e+00, v8;
	[tilespmem:s29+$0xFFFFFFA0] =	vst v12;
	v4 =	vld [tilespmem:s3+$0x30];
	v8 =	vadd.f32 v5, v0  }
0xe2: {  	s8 =	sadd.s32 $0x100, s8;
	v12 =	vadd.f32 v13, v3;
	v10 =	vmul.f32 $8.000000000e+00, v14;
	v5 =	vld [tilespmem:s3+$0xFFFFFFB0];
	[tilespmem:s28+$0x30] =	vst v15;
	s3 =	smov.u32 s0;
	s0 =	smov.u32 s9  }
0xe3: {  	v3 =	vadd.f32 v11, v3;
	s13 =	sadd.s32 $0x100, s13  }
0xe4: {  	[tilespmem:s13+$0x0] =	vst v12  }
0xe5: {  	[tilespmem:s13+$0xFFFFFF80] =	vst v3;
	v39 =	vld [tilespmem:s4+$0x10]  }
0xe6: {  	v40 =	vld [tilespmem:s4+$0xFFFFFF90];
	_ =	sdelay $0x2  }
0xe7: {  	v9 =	vmul.f32 $8.000000000e+00, v9  }
0xe8: {  	v10 =	vadd.f32 v10, v2;
	v3 =	vmul.f32 $8.000000000e+00, v39  }
0xe9: {  	v9 =	vadd.f32 v9, v2;
	v11 =	vmul.f32 $8.000000000e+00, v40  }
0xea: {  	[tilespmem:s10+$0x10] =	vst v10;
	v3 =	vadd.f32 v3, v2  }
0xeb: {  	[tilespmem:s10+$0xFFFFFF90] =	vst v9;
	v41 =	vld [tilespmem:s0+$0x20];
	v42 =	vadd.f32 v11, v2  }
0xec: {  	v43 =	vld [tilespmem:s0+$0xFFFFFFA0];
	[tilespmem:s13+$0x10] =	vst v3  }
0xed: {  	v7 =	vmul.f32 $8.000000000e+00, v7;
	[tilespmem:s13+$0xFFFFFF90] =	vst v42;
	v44 =	vld [tilespmem:s4+$0x20]  }
0xee: {  	v46 =	vld [tilespmem:s4+$0xFFFFFFA0]  }
0xef: {  	v45 =	vmul.f32 $8.000000000e+00, v6;
	v7 =	vadd.f32 v7, v1  }
0xf0: {  	v9 =	vmul.f32 $8.000000000e+00, v41  }
0xf1: {  	[tilespmem:s30+$0xFFFFFFA0] =	vst v7;
	v10 =	vmul.f32 $8.000000000e+00, v43;
	v3 =	vadd.f32 v45, v1  }
0xf2: {  	v50 =	vld [tilespmem:s3+$0xFFFFFFB0];
	v47 =	vadd.f32 v9, v1;
	v2 =	vmul.f32 $8.000000000e+00, v44  }
0xf3: {  	v49 =	vadd.f32 v10, v1;
	[tilespmem:s30+$0x20] =	vst v3;
	v6 =	vmul.f32 $8.000000000e+00, v46  }
0xf4: {  	[tilespmem:s10+$0x20] =	vst v47;
	v48 =	vld [tilespmem:s3+$0x30];
	v2 =	vadd.f32 v2, v1  }
0xf5: {  	[tilespmem:s10+$0xFFFFFFA0] =	vst v49;
	v3 =	vld [tilespmem:s0+$0x30];
	v51 =	vadd.f32 v6, v1  }
0xf6: {  	v4 =	vmul.f32 $8.000000000e+00, v4;
	v52 =	vld [tilespmem:s0+$0xFFFFFFB0];
	[tilespmem:s13+$0x20] =	vst v2  }
0xf7: {  	v57 =	vmul.f32 $8.000000000e+00, v50;
	[tilespmem:s13+$0xFFFFFFA0] =	vst v51;
	v54 =	vld [tilespmem:s4+$0x30]  }
0xf8: {  	v53 =	vmul.f32 $8.000000000e+00, v5;
	v4 =	vadd.f32 v4, v0;
	v56 =	vld [tilespmem:s4+$0xFFFFFFB0]  }
0xf9: {  	[tilespmem:s28+$0xFFFFFFB0] =	vst v8;
	v59 =	vadd.f32 v57, v0;
	v55 =	vmul.f32 $8.000000000e+00, v48  }
0xfa: {  	[tilespmem:s29+$0x30] =	vst v4;
	v3 =	vmul.f32 $8.000000000e+00, v3;
	v2 =	vadd.f32 v53, v0  }
0xfb: {  	[tilespmem:s30+$0xFFFFFFB0] =	vst v59;
	v60 =	vmul.f32 $8.000000000e+00, v52;
	v58 =	vadd.f32 v55, v0  }
0xfc: {  	v3 =	vadd.f32 v3, v0;
	[tilespmem:s29+$0xFFFFFFB0] =	vst v2;
	v1 =	vmul.f32 $8.000000000e+00, v54  }
0xfd: {  	v61 =	vadd.f32 v60, v0;
	[tilespmem:s30+$0x30] =	vst v58;
	v62 =	vmul.f32 $8.000000000e+00, v56  }
.Ltmp4:
0xfe: {  	s31 =	sshll.u32 s26, $0x13;
	[tilespmem:s10+$0x30] =	vst v3;
	v1 =	vadd.f32 v1, v0;
	(pc) =	sbr.rel @p1 .LBB2_8-.Ltmp4, $4  }
0xff: {  	s0 =	sor.u32 s25, s31;
	[tilespmem:s10+$0xFFFFFFB0] =	vst v61;
	v63 =	vadd.f32 v62, v0  }
0x100: {  	s0 =	sshrl.u32 s0, $0x3;
	[tilespmem:s13+$0x30] =	vst v1  }
0x101: {  	s0 =	sadd.s32 s6, s0;
	[tilespmem:s13+$0xFFFFFFB0] =	vst v63  }
0x102: {  	[hbm4b:s0+s5] =	stream.linear.scatter [tilespmem:s20], [sflag:$0x4], $0x4000, $0x38;
	[tilespmem:$0x13700] =	vst v63  }
0x103: {  	s0 =	sshll.u32 s24, $0x8  }
0x104: {  	s0 =	sadd.s32 $0x180, s0  }
0x105: {  	s0 =	sand.u32 $0x380, s0  }
0x106: {  	v0 =	vld [tilespmem:s0+$0x0];
	_ =	sdelay $0x4  }
0x107: {  	[tilespmem:$0x480] =	vst v0  }
0x108: {  	v0 =	vld [tilespmem:s0+$0x10];
	_ =	sdelay $0x4  }
0x109: {  	[tilespmem:$0x490] =	vst v0  }
0x10a: {  	v0 =	vld [tilespmem:s0+$0x20];
	_ =	sdelay $0x4  }
0x10b: {  	[tilespmem:$0x4A0] =	vst v0  }
0x10c: {  	v0 =	vld [tilespmem:s0+$0x30];
	_ =	sdelay $0x4  }
0x10d: {  	[tilespmem:$0x4B0] =	vst v0  }
0x10e: {  	v0 =	vld [tilespmem:s0+$0x40];
	_ =	sdelay $0x4  }
0x10f: {  	[tilespmem:$0x4C0] =	vst v0  }
0x110: {  	v0 =	vld [tilespmem:s0+$0x50];
	_ =	sdelay $0x4  }
0x111: {  	[tilespmem:$0x4D0] =	vst v0  }
0x112: {  	v0 =	vld [tilespmem:s0+$0x60];
	_ =	sdelay $0x4  }
0x113: {  	[tilespmem:$0x4E0] =	vst v0  }
0x114: {  	v0 =	vld [tilespmem:s0+$0x70];
	_ =	sdelay $0x1  }
.Ltmp5:
0x115: {  	_ = 	snop;
	(pc) =	sbr.rel .LBB2_2-.Ltmp5, $3  }
0x116: {  	_ =	sdelay $0x1  }
0x117: {  	s24 =	sadd.s32 $0x1, s24;
	[tilespmem:$0x4F0] =	vst v0  }
0x118: {  	[tilespmem:s16], [sflag:$0x2] =	stream.indirect.gather [hbm4b:s2+s12], $0x80, s15, s12, $0xb8;
	[tilespmem:$0x13700] =	vst v63  }
.LBB2_9:
0x119: {  	_ =	sfence.sel $0x180000  }
0x11a: {  	[bflag:$0x0] =	sbarrier.arrive $0xFFFF  }
0x11b: {  	_ =	strace $0x90000047  }
0x11c: {  	s0 =	stileid.u32;
	[bflag:$0x2] =	sbarrier.arrive $0xFFFF  }
0x11d: {  	p0 =	sne.s32 s0, $0x0;
	s0 =	rddreg [dreg:$0x4]  }
0x11e: {  	s0 =	sadd.s32 @!p0 $0x100000, s0  }
0x11f: {  	[sflag:s0] =	ssyncadd.tile.s32 @!p0 $0x1;
	_ =	shalt  }
.Lfunc_end2:
_tile_overlayer_lowered:
.L_overlay_start_2:
0x120: {  	(tag) =	ssettag $0x2  }
0x121: {  	s0 =	rddreg [dreg:$0x0];
	s2 =	stileid.u32  }
0x122: {  	s1 =	rddreg [dreg:$0x1];
	p0 =	sne.s32 s2, $0x0  }
0x123: {  	s3 =	rddreg [dreg:$0x2];
	[bflag:$0x3] =	sbarrier.arrive $0xFFFF;
	s2 =	simm.s32 @!p0 $0x1C05  }
0x124: {  	[timem:s3], [sflag:s2] =	dma.local @!p0 [hbm:s0], s1  }
0x125: {  	s0 =	simm.s32 @!p0 $0x5  }
0x126: {  	_ =	swait.ge @!p0 [sflag:s0], s1  }
0x127: {  	s1 =	ssub.s32 @!p0 $0x0, s1;
	[sflag:s0] =	ssyncset.done @!p0 $0x0  }
0x128: {  	[sflag:s0] =	ssyncadd.s32 @!p0 s1  }
0x129: {  	[bflag:$0x3] =	sbarrier.arrive $0xFFFF  }
0x12a: {  	_ =	shalt  }

</sc_bundles>
